<compile_context>
chip_gen: v7x
topology: tpu7x:2x2x1
jax: 0.10.2.dev20260603
libtpu: 0.0.44.dev20260713+nightly
codegen_flags: <defaults>
</compile_context>

<pallas_src>
import functools

import jax
import jax.numpy as jnp
from jax import lax
from jax.experimental import pallas as pl
from jax.experimental.pallas import tpu as pltpu
from jax.experimental.pallas import tpu_sc as plsc

NUM_EXPERTS = 16
TOP_K = 2
LANES = 16
NC = 2
NS = 16
NW = NC * NS



def _logits_block(x_hbm, w_ref, logits_ref, xbuf, sem, *, block_t, nbuf):
    step = pl.program_id(0)
    nsteps = pl.num_programs(0)
    t = block_t

    def copy_in(src_step, slot):
        return pltpu.make_async_copy(
            x_hbm.at[pl.ds(src_step * t, t), :], xbuf.at[slot], sem.at[slot])

    @pl.when(step == 0)
    def _prime():
        for j in range(nbuf):
            copy_in(j, j).start()

    slot = lax.rem(step, nbuf)
    copy_in(step, slot).wait()

    logits_ref[...] = jax.lax.dot_general(
        w_ref[...], xbuf[slot],
        dimension_numbers=(((1,), (1,)), ((), ())),
        preferred_element_type=jnp.float32,
    )

    @pl.when(step + nbuf < nsteps)
    def _refill():
        copy_in(step + nbuf, slot).start()


def _tc_logits(x2d, W, block_t=512, nbuf=6):
    n_tok, d = x2d.shape
    return pl.pallas_call(
        functools.partial(_logits_block, block_t=block_t, nbuf=nbuf),
        grid=(n_tok // block_t,),
        in_specs=[
            pl.BlockSpec(memory_space=pltpu.MemorySpace.HBM),
            pl.BlockSpec((NUM_EXPERTS, d), lambda i: (0, 0)),
        ],
        out_specs=pl.BlockSpec((NUM_EXPERTS, block_t), lambda i: (0, i)),
        out_shape=jax.ShapeDtypeStruct((NUM_EXPERTS, n_tok), jnp.float32),
        scratch_shapes=[
            pltpu.VMEM((nbuf, block_t, d), jnp.float32),
            pltpu.SemaphoreType.DMA((nbuf,)),
        ],
    )(x2d, W)



def _make_sc_router(n_tok):
    tpw = n_tok // NW
    ngrp = tpw // LANES

    mesh = plsc.VectorSubcoreMesh(core_axis_name="c", subcore_axis_name="s")

    @functools.partial(
        pl.kernel, mesh=mesh,
        out_type=[
            jax.ShapeDtypeStruct((NUM_EXPERTS, n_tok), jnp.float32),
            jax.ShapeDtypeStruct((TOP_K, n_tok), jnp.int32),
            jax.ShapeDtypeStruct((NW, NUM_EXPERTS, LANES), jnp.float32),
        ],
        scratch_types=[
            pltpu.VMEM((NUM_EXPERTS, tpw), jnp.float32),
            pltpu.VMEM((NUM_EXPERTS, tpw), jnp.float32),
            pltpu.VMEM((TOP_K, tpw), jnp.int32),
            pltpu.VMEM((NUM_EXPERTS, LANES), jnp.float32),
        ],
    )
    def sc_router(logits_hbm, gates_hbm, idx_hbm, usage_hbm,
                  lbuf, gbuf, ibuf, ubuf):
        wid = lax.axis_index("s") * NC + lax.axis_index("c")
        base = wid * tpw
        pltpu.sync_copy(logits_hbm.at[:, pl.ds(base, tpw)], lbuf)

        lane = lax.broadcasted_iota(jnp.int32, (LANES,), 0)
        zero_f = jnp.zeros((LANES,), jnp.float32)
        zero_i = jnp.zeros((LANES,), jnp.int32)

        def group(g, accs):
            sl = pl.ds(g * LANES, LANES)
            m1 = lbuf[0, sl]
            i1 = zero_i
            m2 = jnp.full((LANES,), -jnp.inf, jnp.float32)
            i2 = zero_i
            for e in range(1, NUM_EXPERTS):
                v = lbuf[e, sl]
                ev = jnp.full((LANES,), e, jnp.int32)
                gt1 = v > m1
                c2 = v > m2
                i2 = jnp.where(gt1, i1, jnp.where(c2, ev, i2))
                m2 = jnp.where(gt1, m1, jnp.where(c2, v, m2))
                i1 = jnp.where(gt1, ev, i1)
                m1 = jnp.where(gt1, v, m1)

            e2 = jnp.exp(m2 - m1)
            g1 = 1.0 / (1.0 + e2)
            g2 = 1.0 - g1

            new_accs = []
            for e in range(NUM_EXPERTS):
                ev = jnp.full((LANES,), e, jnp.int32)
                ge = (jnp.where(i1 == ev, g1, zero_f)
                      + jnp.where(i2 == ev, g2, zero_f))
                gbuf[e, sl] = ge
                new_accs.append(accs[e] + ge)
            ibuf[0, sl] = i1
            ibuf[1, sl] = i2
            return tuple(new_accs)

        accs = lax.fori_loop(
            0, ngrp, group,
            tuple(zero_f for _ in range(NUM_EXPERTS)))

        for e in range(NUM_EXPERTS):
            ubuf[e, :] = accs[e]

        pltpu.sync_copy(gbuf, gates_hbm.at[:, pl.ds(base, tpw)])
        pltpu.sync_copy(ibuf, idx_hbm.at[:, pl.ds(base, tpw)])
        pltpu.sync_copy(ubuf, usage_hbm.at[wid])

    return sc_router



def _loss_block(u_ref, loss_ref, *, n_tok):
    usage = jnp.sum(u_ref[...], axis=(0, 2)) / jnp.float32(n_tok)
    uniform = jnp.float32(1.0 / NUM_EXPERTS)
    kl = jnp.sum(uniform * (jnp.log(uniform) - jnp.log(usage)))
    loss_ref[...] = jnp.full((1, 1), kl, dtype=jnp.float32)


def _tc_loss(upart, n_tok):
    return pl.pallas_call(
        functools.partial(_loss_block, n_tok=n_tok),
        out_shape=jax.ShapeDtypeStruct((1, 1), jnp.float32),
    )(upart)



@jax.jit
def _router(x2d, W):
    n_tok, _ = x2d.shape
    logits_t = _tc_logits(x2d, W)
    gates_t, idx_t, upart = _make_sc_router(n_tok)(logits_t)
    loss = _tc_loss(upart, n_tok)
    return gates_t.T, idx_t.T, loss


def kernel(x, W):
    b, s, d = x.shape
    gates, idx, loss = _router(x.reshape(b * s, d), W)
    return (gates.reshape(b, s, NUM_EXPERTS),
            idx.reshape(b, s, TOP_K),
            loss.reshape(()))

# --- scband reference (transcript-rebuilt; emitter-appended) ---
"""Pipeline reference for scband-router-41308995453102 (READ-ONLY COPY).

The authoritative reference and input builder live on the scoring server;
editing this copy changes nothing except your own understanding.
"""

import jax, jax.numpy as jnp
import numpy as np

NUM_EXPERTS = 16
TOP_K = 2
INPUT_DIM = 2048


def setup_inputs(seed: int = 0) -> dict:
    key = jax.random.key(seed)
    k1, k2 = jax.random.split(key)
    x = jax.random.normal(k1, (4, 4096, INPUT_DIM), dtype=jnp.float32)
    # gate: nn.Linear(input_dim, num_experts, bias=False) -> weight [num_experts, input_dim]
    W = jax.random.normal(k2, (NUM_EXPERTS, INPUT_DIM), dtype=jnp.float32) * (1.0 / np.sqrt(INPUT_DIM))
    return {"x": x, "W": W}


def reference(x, W):
    # eval-mode router: no gating noise (self.training is False)
    logits = jnp.einsum('bsd,ed->bse', x, W)
    top_k_logits, indices = jax.lax.top_k(logits, TOP_K)
    top_k_gates = jax.nn.softmax(top_k_logits, axis=-1)
    # scatter top_k_gates back into dense [B, S, E] gate tensor (scatter-overwrite;
    # indices within a token are distinct so one-hot sum is equivalent)
    oh = jax.nn.one_hot(indices, NUM_EXPERTS, dtype=logits.dtype)  # [B, S, K, E]
    gates = jnp.sum(oh * top_k_gates[..., None], axis=-2)  # [B, S, E]
    # load balance aux loss: KL(uniform || expert_usage), reduction='sum'
    expert_usage = jnp.sum(gates, axis=(0, 1)) / (gates.shape[0] * gates.shape[1])
    uniform = jnp.ones_like(expert_usage) / NUM_EXPERTS
    load_balance_loss = jnp.sum(uniform * (jnp.log(uniform) - jnp.log(expert_usage)))
    return (gates, indices, load_balance_loss)

if __name__ == "__main__":
    import jax
    _d = setup_inputs()
    print(jax.jit(kernel)(*tuple(_d.values())))

</pallas_src>

<mosaic_0001>
#map = affine_map<(d0, d1) -> (0, 0)>
#map1 = affine_map<(d0, d1) -> (0, 0, 0)>
module attributes {stable_mosaic.version = 14 : i64} {
  func.func @sc_router(%arg0: i32, %arg1: i32, %arg2: memref<16x16384xf32, #tpu.memory_space<hbm>>, %arg3: memref<16x16384xf32, #tpu.memory_space<hbm>>, %arg4: memref<2x16384xi32, #tpu.memory_space<hbm>>, %arg5: memref<32x16x16xf32, #tpu.memory_space<hbm>>, %arg6: memref<16x512xf32, #tpu.memory_space<vmem>>, %arg7: memref<16x512xf32, #tpu.memory_space<vmem>>, %arg8: memref<2x512xi32, #tpu.memory_space<vmem>>, %arg9: memref<16x16xf32, #tpu.memory_space<vmem>>) attributes {dimension_semantics = [#tpu.dimension_semantics<core_parallel>, #tpu.dimension_semantics<subcore_parallel>], iteration_bounds = array<i64: 2, 16>, scalar_prefetch = 0 : i64, scratch_operands = 4 : i64, tpu.core_type = #tpu.core_type<sc_vector_subcore>, window_params = [{transform_indices = #map}, {transform_indices = #map}, {transform_indices = #map}, {transform_indices = #map1}]} {
    %mul3A = arith.constant 2 : i32
    %mul3A_0 = arith.muli %arg1, %mul3A : i32
    %add3A = arith.addi %mul3A_0, %arg0 : i32
    %mul3A_1 = arith.constant 512 : i32
    %mul3A_2 = arith.muli %add3A, %mul3A_1 : i32
    "tpu.region"() ({
      %run_scoped3A = tpu.sem_alloc : memref<!tpu.dma_semaphore, #tpu.memory_space<semaphore_mem>>
      %dma_start3A = arith.constant 0 : i32
      %dma_start3A_106 = tpu.memref_slice %arg2[%dma_start3A, %mul3A_2] : memref<16x16384xf32, #tpu.memory_space<hbm>> -> memref<16x512xf32, #tpu.memory_space<hbm>>
      %dma_start3A_107 = arith.constant 0 : i32
      %dma_start3A_108 = tpu.memref_slice %arg2[%dma_start3A_107, %mul3A_2] : memref<16x16384xf32, #tpu.memory_space<hbm>> -> memref<16x512xf32, #tpu.memory_space<hbm>>
      tpu.enqueue_dma source(%dma_start3A_108 : memref<16x512xf32, #tpu.memory_space<hbm>>) target(%arg6 : memref<16x512xf32, #tpu.memory_space<vmem>>) target_semaphore(%run_scoped3A : memref<!tpu.dma_semaphore, #tpu.memory_space<semaphore_mem>>)
      %dma_wait3A = arith.constant 0 : i32
      %dma_wait3A_109 = tpu.memref_slice %arg2[%dma_wait3A, %mul3A_2] : memref<16x16384xf32, #tpu.memory_space<hbm>> -> memref<16x512xf32, #tpu.memory_space<hbm>>
      %dma_wait3A_110 = arith.constant 0 : i32
      %dma_wait3A_111 = tpu.memref_slice %arg2[%dma_wait3A_110, %mul3A_2] : memref<16x16384xf32, #tpu.memory_space<hbm>> -> memref<16x512xf32, #tpu.memory_space<hbm>>
      tpu.wait_dma2 semaphore(%run_scoped3A : memref<!tpu.dma_semaphore, #tpu.memory_space<semaphore_mem>>) src(%dma_wait3A_111 : memref<16x512xf32, #tpu.memory_space<hbm>>) dst(%arg6 : memref<16x512xf32, #tpu.memory_space<vmem>>)
      tpu.yield
    }) : () -> ()
    %iota3A = tpu.iota {dimensions = array<i32: 0>} : vector<16xi32>
    %broadcast_in_dim3A = arith.constant 0.000000e+00 : f32
    %broadcast_in_dim3A_3 = vector.broadcast %broadcast_in_dim3A : f32 to vector<16xf32>
    %broadcast_in_dim3A_4 = arith.constant 0 : i32
    %broadcast_in_dim3A_5 = vector.broadcast %broadcast_in_dim3A_4 : i32 to vector<16xi32>
    %scan3A = arith.constant 0 : i32
    %scan3A_6 = arith.constant 32 : i32
    %scan3A_7 = arith.addi %scan3A, %scan3A_6 : i32
    %scan3A_8 = arith.constant 1 : i32
    %scan3A_9:16 = scf.for %scan3A_106 = %scan3A to %scan3A_7 step %scan3A_8 iter_args(%scan3A_107 = %broadcast_in_dim3A_3, %scan3A_108 = %broadcast_in_dim3A_3, %scan3A_109 = %broadcast_in_dim3A_3, %scan3A_110 = %broadcast_in_dim3A_3, %scan3A_111 = %broadcast_in_dim3A_3, %scan3A_112 = %broadcast_in_dim3A_3, %scan3A_113 = %broadcast_in_dim3A_3, %scan3A_114 = %broadcast_in_dim3A_3, %scan3A_115 = %broadcast_in_dim3A_3, %scan3A_116 = %broadcast_in_dim3A_3, %scan3A_117 = %broadcast_in_dim3A_3, %scan3A_118 = %broadcast_in_dim3A_3, %scan3A_119 = %broadcast_in_dim3A_3, %scan3A_120 = %broadcast_in_dim3A_3, %scan3A_121 = %broadcast_in_dim3A_3, %scan3A_122 = %broadcast_in_dim3A_3) -> (vector<16xf32>, vector<16xf32>, vector<16xf32>, vector<16xf32>, vector<16xf32>, vector<16xf32>, vector<16xf32>, vector<16xf32>, vector<16xf32>, vector<16xf32>, vector<16xf32>, vector<16xf32>, vector<16xf32>, vector<16xf32>, vector<16xf32>, vector<16xf32>)  : i32 {
      %mul3A_123 = arith.constant 16 : i32
      %mul3A_124 = arith.muli %scan3A_106, %mul3A_123 : i32
      %get3A = arith.constant 0 : i32
      %get3A_125 = arith.index_cast %get3A : i32 to index
      %get3A_126 = arith.index_cast %mul3A_124 : i32 to index
      %get3A_127 = tpu.vector_load %arg6[%get3A_125, %get3A_126] {strides = array<i32>} : memref<16x512xf32, #tpu.memory_space<vmem>>, vector<1x16xf32>,
      %get3A_128 = vector.shape_cast %get3A_127 : vector<1x16xf32> to vector<16xf32>
      %broadcast_in_dim3A_129 = arith.constant 0xFF800000 : f32
      %broadcast_in_dim3A_130 = vector.broadcast %broadcast_in_dim3A_129 : f32 to vector<16xf32>
      %get3A_131 = arith.constant 1 : i32
      %get3A_132 = arith.index_cast %get3A_131 : i32 to index
      %get3A_133 = arith.index_cast %mul3A_124 : i32 to index
      %get3A_134 = tpu.vector_load %arg6[%get3A_132, %get3A_133] {strides = array<i32>} : memref<16x512xf32, #tpu.memory_space<vmem>>, vector<1x16xf32>,
      %get3A_135 = vector.shape_cast %get3A_134 : vector<1x16xf32> to vector<16xf32>
      %broadcast_in_dim3A_136 = arith.constant 1 : i32
      %broadcast_in_dim3A_137 = vector.broadcast %broadcast_in_dim3A_136 : i32 to vector<16xi32>
      %gt3A = arith.cmpf ogt, %get3A_135, %get3A_128 : vector<16xf32>
      %gt3A_138 = arith.cmpf ogt, %get3A_135, %broadcast_in_dim3A_130 : vector<16xf32>
      %select_n3A = arith.select %gt3A_138, %broadcast_in_dim3A_137, %broadcast_in_dim3A_5 : vector<16xi1>, vector<16xi32>
      %select_n3A_139 = arith.select %gt3A, %broadcast_in_dim3A_5, %select_n3A : vector<16xi1>, vector<16xi32>
      %select_n3A_140 = arith.select %gt3A_138, %get3A_135, %broadcast_in_dim3A_130 : vector<16xi1>, vector<16xf32>
      %select_n3A_141 = arith.select %gt3A, %get3A_128, %select_n3A_140 : vector<16xi1>, vector<16xf32>
      %select_n3A_142 = arith.select %gt3A, %broadcast_in_dim3A_137, %broadcast_in_dim3A_5 : vector<16xi1>, vector<16xi32>
      %select_n3A_143 = arith.select %gt3A, %get3A_135, %get3A_128 : vector<16xi1>, vector<16xf32>
      %get3A_144 = arith.constant 2 : i32
      %get3A_145 = arith.index_cast %get3A_144 : i32 to index
      %get3A_146 = arith.index_cast %mul3A_124 : i32 to index
      %get3A_147 = tpu.vector_load %arg6[%get3A_145, %get3A_146] {strides = array<i32>} : memref<16x512xf32, #tpu.memory_space<vmem>>, vector<1x16xf32>,
      %get3A_148 = vector.shape_cast %get3A_147 : vector<1x16xf32> to vector<16xf32>
      %broadcast_in_dim3A_149 = arith.constant 2 : i32
      %broadcast_in_dim3A_150 = vector.broadcast %broadcast_in_dim3A_149 : i32 to vector<16xi32>
      %gt3A_151 = arith.cmpf ogt, %get3A_148, %select_n3A_143 : vector<16xf32>
      %gt3A_152 = arith.cmpf ogt, %get3A_148, %select_n3A_141 : vector<16xf32>
      %select_n3A_153 = arith.select %gt3A_152, %broadcast_in_dim3A_150, %select_n3A_139 : vector<16xi1>, vector<16xi32>
      %select_n3A_154 = arith.select %gt3A_151, %select_n3A_142, %select_n3A_153 : vector<16xi1>, vector<16xi32>
      %select_n3A_155 = arith.select %gt3A_152, %get3A_148, %select_n3A_141 : vector<16xi1>, vector<16xf32>
      %select_n3A_156 = arith.select %gt3A_151, %select_n3A_143, %select_n3A_155 : vector<16xi1>, vector<16xf32>
      %select_n3A_157 = arith.select %gt3A_151, %broadcast_in_dim3A_150, %select_n3A_142 : vector<16xi1>, vector<16xi32>
      %select_n3A_158 = arith.select %gt3A_151, %get3A_148, %select_n3A_143 : vector<16xi1>, vector<16xf32>
      %get3A_159 = arith.constant 3 : i32
      %get3A_160 = arith.index_cast %get3A_159 : i32 to index
      %get3A_161 = arith.index_cast %mul3A_124 : i32 to index
      %get3A_162 = tpu.vector_load %arg6[%get3A_160, %get3A_161] {strides = array<i32>} : memref<16x512xf32, #tpu.memory_space<vmem>>, vector<1x16xf32>,
      %get3A_163 = vector.shape_cast %get3A_162 : vector<1x16xf32> to vector<16xf32>
      %broadcast_in_dim3A_164 = arith.constant 3 : i32
      %broadcast_in_dim3A_165 = vector.broadcast %broadcast_in_dim3A_164 : i32 to vector<16xi32>
      %gt3A_166 = arith.cmpf ogt, %get3A_163, %select_n3A_158 : vector<16xf32>
      %gt3A_167 = arith.cmpf ogt, %get3A_163, %select_n3A_156 : vector<16xf32>
      %select_n3A_168 = arith.select %gt3A_167, %broadcast_in_dim3A_165, %select_n3A_154 : vector<16xi1>, vector<16xi32>
      %select_n3A_169 = arith.select %gt3A_166, %select_n3A_157, %select_n3A_168 : vector<16xi1>, vector<16xi32>
      %select_n3A_170 = arith.select %gt3A_167, %get3A_163, %select_n3A_156 : vector<16xi1>, vector<16xf32>
      %select_n3A_171 = arith.select %gt3A_166, %select_n3A_158, %select_n3A_170 : vector<16xi1>, vector<16xf32>
      %select_n3A_172 = arith.select %gt3A_166, %broadcast_in_dim3A_165, %select_n3A_157 : vector<16xi1>, vector<16xi32>
      %select_n3A_173 = arith.select %gt3A_166, %get3A_163, %select_n3A_158 : vector<16xi1>, vector<16xf32>
      %get3A_174 = arith.constant 4 : i32
      %get3A_175 = arith.index_cast %get3A_174 : i32 to index
      %get3A_176 = arith.index_cast %mul3A_124 : i32 to index
      %get3A_177 = tpu.vector_load %arg6[%get3A_175, %get3A_176] {strides = array<i32>} : memref<16x512xf32, #tpu.memory_space<vmem>>, vector<1x16xf32>,
      %get3A_178 = vector.shape_cast %get3A_177 : vector<1x16xf32> to vector<16xf32>
      %broadcast_in_dim3A_179 = arith.constant 4 : i32
      %broadcast_in_dim3A_180 = vector.broadcast %broadcast_in_dim3A_179 : i32 to vector<16xi32>
      %gt3A_181 = arith.cmpf ogt, %get3A_178, %select_n3A_173 : vector<16xf32>
      %gt3A_182 = arith.cmpf ogt, %get3A_178, %select_n3A_171 : vector<16xf32>
      %select_n3A_183 = arith.select %gt3A_182, %broadcast_in_dim3A_180, %select_n3A_169 : vector<16xi1>, vector<16xi32>
      %select_n3A_184 = arith.select %gt3A_181, %select_n3A_172, %select_n3A_183 : vector<16xi1>, vector<16xi32>
      %select_n3A_185 = arith.select %gt3A_182, %get3A_178, %select_n3A_171 : vector<16xi1>, vector<16xf32>
      %select_n3A_186 = arith.select %gt3A_181, %select_n3A_173, %select_n3A_185 : vector<16xi1>, vector<16xf32>
      %select_n3A_187 = arith.select %gt3A_181, %broadcast_in_dim3A_180, %select_n3A_172 : vector<16xi1>, vector<16xi32>
      %select_n3A_188 = arith.select %gt3A_181, %get3A_178, %select_n3A_173 : vector<16xi1>, vector<16xf32>
      %get3A_189 = arith.constant 5 : i32
      %get3A_190 = arith.index_cast %get3A_189 : i32 to index
      %get3A_191 = arith.index_cast %mul3A_124 : i32 to index
      %get3A_192 = tpu.vector_load %arg6[%get3A_190, %get3A_191] {strides = array<i32>} : memref<16x512xf32, #tpu.memory_space<vmem>>, vector<1x16xf32>,
      %get3A_193 = vector.shape_cast %get3A_192 : vector<1x16xf32> to vector<16xf32>
      %broadcast_in_dim3A_194 = arith.constant 5 : i32
      %broadcast_in_dim3A_195 = vector.broadcast %broadcast_in_dim3A_194 : i32 to vector<16xi32>
      %gt3A_196 = arith.cmpf ogt, %get3A_193, %select_n3A_188 : vector<16xf32>
      %gt3A_197 = arith.cmpf ogt, %get3A_193, %select_n3A_186 : vector<16xf32>
      %select_n3A_198 = arith.select %gt3A_197, %broadcast_in_dim3A_195, %select_n3A_184 : vector<16xi1>, vector<16xi32>
      %select_n3A_199 = arith.select %gt3A_196, %select_n3A_187, %select_n3A_198 : vector<16xi1>, vector<16xi32>
      %select_n3A_200 = arith.select %gt3A_197, %get3A_193, %select_n3A_186 : vector<16xi1>, vector<16xf32>
      %select_n3A_201 = arith.select %gt3A_196, %select_n3A_188, %select_n3A_200 : vector<16xi1>, vector<16xf32>
      %select_n3A_202 = arith.select %gt3A_196, %broadcast_in_dim3A_195, %select_n3A_187 : vector<16xi1>, vector<16xi32>
      %select_n3A_203 = arith.select %gt3A_196, %get3A_193, %select_n3A_188 : vector<16xi1>, vector<16xf32>
      %get3A_204 = arith.constant 6 : i32
      %get3A_205 = arith.index_cast %get3A_204 : i32 to index
      %get3A_206 = arith.index_cast %mul3A_124 : i32 to index
      %get3A_207 = tpu.vector_load %arg6[%get3A_205, %get3A_206] {strides = array<i32>} : memref<16x512xf32, #tpu.memory_space<vmem>>, vector<1x16xf32>,
      %get3A_208 = vector.shape_cast %get3A_207 : vector<1x16xf32> to vector<16xf32>
      %broadcast_in_dim3A_209 = arith.constant 6 : i32
      %broadcast_in_dim3A_210 = vector.broadcast %broadcast_in_dim3A_209 : i32 to vector<16xi32>
      %gt3A_211 = arith.cmpf ogt, %get3A_208, %select_n3A_203 : vector<16xf32>
      %gt3A_212 = arith.cmpf ogt, %get3A_208, %select_n3A_201 : vector<16xf32>
      %select_n3A_213 = arith.select %gt3A_212, %broadcast_in_dim3A_210, %select_n3A_199 : vector<16xi1>, vector<16xi32>
      %select_n3A_214 = arith.select %gt3A_211, %select_n3A_202, %select_n3A_213 : vector<16xi1>, vector<16xi32>
      %select_n3A_215 = arith.select %gt3A_212, %get3A_208, %select_n3A_201 : vector<16xi1>, vector<16xf32>
      %select_n3A_216 = arith.select %gt3A_211, %select_n3A_203, %select_n3A_215 : vector<16xi1>, vector<16xf32>
      %select_n3A_217 = arith.select %gt3A_211, %broadcast_in_dim3A_210, %select_n3A_202 : vector<16xi1>, vector<16xi32>
      %select_n3A_218 = arith.select %gt3A_211, %get3A_208, %select_n3A_203 : vector<16xi1>, vector<16xf32>
      %get3A_219 = arith.constant 7 : i32
      %get3A_220 = arith.index_cast %get3A_219 : i32 to index
      %get3A_221 = arith.index_cast %mul3A_124 : i32 to index
      %get3A_222 = tpu.vector_load %arg6[%get3A_220, %get3A_221] {strides = array<i32>} : memref<16x512xf32, #tpu.memory_space<vmem>>, vector<1x16xf32>,
      %get3A_223 = vector.shape_cast %get3A_222 : vector<1x16xf32> to vector<16xf32>
      %broadcast_in_dim3A_224 = arith.constant 7 : i32
      %broadcast_in_dim3A_225 = vector.broadcast %broadcast_in_dim3A_224 : i32 to vector<16xi32>
      %gt3A_226 = arith.cmpf ogt, %get3A_223, %select_n3A_218 : vector<16xf32>
      %gt3A_227 = arith.cmpf ogt, %get3A_223, %select_n3A_216 : vector<16xf32>
      %select_n3A_228 = arith.select %gt3A_227, %broadcast_in_dim3A_225, %select_n3A_214 : vector<16xi1>, vector<16xi32>
      %select_n3A_229 = arith.select %gt3A_226, %select_n3A_217, %select_n3A_228 : vector<16xi1>, vector<16xi32>
      %select_n3A_230 = arith.select %gt3A_227, %get3A_223, %select_n3A_216 : vector<16xi1>, vector<16xf32>
      %select_n3A_231 = arith.select %gt3A_226, %select_n3A_218, %select_n3A_230 : vector<16xi1>, vector<16xf32>
      %select_n3A_232 = arith.select %gt3A_226, %broadcast_in_dim3A_225, %select_n3A_217 : vector<16xi1>, vector<16xi32>
      %select_n3A_233 = arith.select %gt3A_226, %get3A_223, %select_n3A_218 : vector<16xi1>, vector<16xf32>
      %get3A_234 = arith.constant 8 : i32
      %get3A_235 = arith.index_cast %get3A_234 : i32 to index
      %get3A_236 = arith.index_cast %mul3A_124 : i32 to index
      %get3A_237 = tpu.vector_load %arg6[%get3A_235, %get3A_236] {strides = array<i32>} : memref<16x512xf32, #tpu.memory_space<vmem>>, vector<1x16xf32>,
      %get3A_238 = vector.shape_cast %get3A_237 : vector<1x16xf32> to vector<16xf32>
      %broadcast_in_dim3A_239 = arith.constant 8 : i32
      %broadcast_in_dim3A_240 = vector.broadcast %broadcast_in_dim3A_239 : i32 to vector<16xi32>
      %gt3A_241 = arith.cmpf ogt, %get3A_238, %select_n3A_233 : vector<16xf32>
      %gt3A_242 = arith.cmpf ogt, %get3A_238, %select_n3A_231 : vector<16xf32>
      %select_n3A_243 = arith.select %gt3A_242, %broadcast_in_dim3A_240, %select_n3A_229 : vector<16xi1>, vector<16xi32>
      %select_n3A_244 = arith.select %gt3A_241, %select_n3A_232, %select_n3A_243 : vector<16xi1>, vector<16xi32>
      %select_n3A_245 = arith.select %gt3A_242, %get3A_238, %select_n3A_231 : vector<16xi1>, vector<16xf32>
      %select_n3A_246 = arith.select %gt3A_241, %select_n3A_233, %select_n3A_245 : vector<16xi1>, vector<16xf32>
      %select_n3A_247 = arith.select %gt3A_241, %broadcast_in_dim3A_240, %select_n3A_232 : vector<16xi1>, vector<16xi32>
      %select_n3A_248 = arith.select %gt3A_241, %get3A_238, %select_n3A_233 : vector<16xi1>, vector<16xf32>
      %get3A_249 = arith.constant 9 : i32
      %get3A_250 = arith.index_cast %get3A_249 : i32 to index
      %get3A_251 = arith.index_cast %mul3A_124 : i32 to index
      %get3A_252 = tpu.vector_load %arg6[%get3A_250, %get3A_251] {strides = array<i32>} : memref<16x512xf32, #tpu.memory_space<vmem>>, vector<1x16xf32>,
      %get3A_253 = vector.shape_cast %get3A_252 : vector<1x16xf32> to vector<16xf32>
      %broadcast_in_dim3A_254 = arith.constant 9 : i32
      %broadcast_in_dim3A_255 = vector.broadcast %broadcast_in_dim3A_254 : i32 to vector<16xi32>
      %gt3A_256 = arith.cmpf ogt, %get3A_253, %select_n3A_248 : vector<16xf32>
      %gt3A_257 = arith.cmpf ogt, %get3A_253, %select_n3A_246 : vector<16xf32>
      %select_n3A_258 = arith.select %gt3A_257, %broadcast_in_dim3A_255, %select_n3A_244 : vector<16xi1>, vector<16xi32>
      %select_n3A_259 = arith.select %gt3A_256, %select_n3A_247, %select_n3A_258 : vector<16xi1>, vector<16xi32>
      %select_n3A_260 = arith.select %gt3A_257, %get3A_253, %select_n3A_246 : vector<16xi1>, vector<16xf32>
      %select_n3A_261 = arith.select %gt3A_256, %select_n3A_248, %select_n3A_260 : vector<16xi1>, vector<16xf32>
      %select_n3A_262 = arith.select %gt3A_256, %broadcast_in_dim3A_255, %select_n3A_247 : vector<16xi1>, vector<16xi32>
      %select_n3A_263 = arith.select %gt3A_256, %get3A_253, %select_n3A_248 : vector<16xi1>, vector<16xf32>
      %get3A_264 = arith.constant 10 : i32
      %get3A_265 = arith.index_cast %get3A_264 : i32 to index
      %get3A_266 = arith.index_cast %mul3A_124 : i32 to index
      %get3A_267 = tpu.vector_load %arg6[%get3A_265, %get3A_266] {strides = array<i32>} : memref<16x512xf32, #tpu.memory_space<vmem>>, vector<1x16xf32>,
      %get3A_268 = vector.shape_cast %get3A_267 : vector<1x16xf32> to vector<16xf32>
      %broadcast_in_dim3A_269 = arith.constant 10 : i32
      %broadcast_in_dim3A_270 = vector.broadcast %broadcast_in_dim3A_269 : i32 to vector<16xi32>
      %gt3A_271 = arith.cmpf ogt, %get3A_268, %select_n3A_263 : vector<16xf32>
      %gt3A_272 = arith.cmpf ogt, %get3A_268, %select_n3A_261 : vector<16xf32>
      %select_n3A_273 = arith.select %gt3A_272, %broadcast_in_dim3A_270, %select_n3A_259 : vector<16xi1>, vector<16xi32>
      %select_n3A_274 = arith.select %gt3A_271, %select_n3A_262, %select_n3A_273 : vector<16xi1>, vector<16xi32>
      %select_n3A_275 = arith.select %gt3A_272, %get3A_268, %select_n3A_261 : vector<16xi1>, vector<16xf32>
      %select_n3A_276 = arith.select %gt3A_271, %select_n3A_263, %select_n3A_275 : vector<16xi1>, vector<16xf32>
      %select_n3A_277 = arith.select %gt3A_271, %broadcast_in_dim3A_270, %select_n3A_262 : vector<16xi1>, vector<16xi32>
      %select_n3A_278 = arith.select %gt3A_271, %get3A_268, %select_n3A_263 : vector<16xi1>, vector<16xf32>
      %get3A_279 = arith.constant 11 : i32
      %get3A_280 = arith.index_cast %get3A_279 : i32 to index
      %get3A_281 = arith.index_cast %mul3A_124 : i32 to index
      %get3A_282 = tpu.vector_load %arg6[%get3A_280, %get3A_281] {strides = array<i32>} : memref<16x512xf32, #tpu.memory_space<vmem>>, vector<1x16xf32>,
      %get3A_283 = vector.shape_cast %get3A_282 : vector<1x16xf32> to vector<16xf32>
      %broadcast_in_dim3A_284 = arith.constant 11 : i32
      %broadcast_in_dim3A_285 = vector.broadcast %broadcast_in_dim3A_284 : i32 to vector<16xi32>
      %gt3A_286 = arith.cmpf ogt, %get3A_283, %select_n3A_278 : vector<16xf32>
      %gt3A_287 = arith.cmpf ogt, %get3A_283, %select_n3A_276 : vector<16xf32>
      %select_n3A_288 = arith.select %gt3A_287, %broadcast_in_dim3A_285, %select_n3A_274 : vector<16xi1>, vector<16xi32>
      %select_n3A_289 = arith.select %gt3A_286, %select_n3A_277, %select_n3A_288 : vector<16xi1>, vector<16xi32>
      %select_n3A_290 = arith.select %gt3A_287, %get3A_283, %select_n3A_276 : vector<16xi1>, vector<16xf32>
      %select_n3A_291 = arith.select %gt3A_286, %select_n3A_278, %select_n3A_290 : vector<16xi1>, vector<16xf32>
      %select_n3A_292 = arith.select %gt3A_286, %broadcast_in_dim3A_285, %select_n3A_277 : vector<16xi1>, vector<16xi32>
      %select_n3A_293 = arith.select %gt3A_286, %get3A_283, %select_n3A_278 : vector<16xi1>, vector<16xf32>
      %get3A_294 = arith.constant 12 : i32
      %get3A_295 = arith.index_cast %get3A_294 : i32 to index
      %get3A_296 = arith.index_cast %mul3A_124 : i32 to index
      %get3A_297 = tpu.vector_load %arg6[%get3A_295, %get3A_296] {strides = array<i32>} : memref<16x512xf32, #tpu.memory_space<vmem>>, vector<1x16xf32>,
      %get3A_298 = vector.shape_cast %get3A_297 : vector<1x16xf32> to vector<16xf32>
      %broadcast_in_dim3A_299 = arith.constant 12 : i32
      %broadcast_in_dim3A_300 = vector.broadcast %broadcast_in_dim3A_299 : i32 to vector<16xi32>
      %gt3A_301 = arith.cmpf ogt, %get3A_298, %select_n3A_293 : vector<16xf32>
      %gt3A_302 = arith.cmpf ogt, %get3A_298, %select_n3A_291 : vector<16xf32>
      %select_n3A_303 = arith.select %gt3A_302, %broadcast_in_dim3A_300, %select_n3A_289 : vector<16xi1>, vector<16xi32>
      %select_n3A_304 = arith.select %gt3A_301, %select_n3A_292, %select_n3A_303 : vector<16xi1>, vector<16xi32>
      %select_n3A_305 = arith.select %gt3A_302, %get3A_298, %select_n3A_291 : vector<16xi1>, vector<16xf32>
      %select_n3A_306 = arith.select %gt3A_301, %select_n3A_293, %select_n3A_305 : vector<16xi1>, vector<16xf32>
      %select_n3A_307 = arith.select %gt3A_301, %broadcast_in_dim3A_300, %select_n3A_292 : vector<16xi1>, vector<16xi32>
      %select_n3A_308 = arith.select %gt3A_301, %get3A_298, %select_n3A_293 : vector<16xi1>, vector<16xf32>
      %get3A_309 = arith.constant 13 : i32
      %get3A_310 = arith.index_cast %get3A_309 : i32 to index
      %get3A_311 = arith.index_cast %mul3A_124 : i32 to index
      %get3A_312 = tpu.vector_load %arg6[%get3A_310, %get3A_311] {strides = array<i32>} : memref<16x512xf32, #tpu.memory_space<vmem>>, vector<1x16xf32>,
      %get3A_313 = vector.shape_cast %get3A_312 : vector<1x16xf32> to vector<16xf32>
      %broadcast_in_dim3A_314 = arith.constant 13 : i32
      %broadcast_in_dim3A_315 = vector.broadcast %broadcast_in_dim3A_314 : i32 to vector<16xi32>
      %gt3A_316 = arith.cmpf ogt, %get3A_313, %select_n3A_308 : vector<16xf32>
      %gt3A_317 = arith.cmpf ogt, %get3A_313, %select_n3A_306 : vector<16xf32>
      %select_n3A_318 = arith.select %gt3A_317, %broadcast_in_dim3A_315, %select_n3A_304 : vector<16xi1>, vector<16xi32>
      %select_n3A_319 = arith.select %gt3A_316, %select_n3A_307, %select_n3A_318 : vector<16xi1>, vector<16xi32>
      %select_n3A_320 = arith.select %gt3A_317, %get3A_313, %select_n3A_306 : vector<16xi1>, vector<16xf32>
      %select_n3A_321 = arith.select %gt3A_316, %select_n3A_308, %select_n3A_320 : vector<16xi1>, vector<16xf32>
      %select_n3A_322 = arith.select %gt3A_316, %broadcast_in_dim3A_315, %select_n3A_307 : vector<16xi1>, vector<16xi32>
      %select_n3A_323 = arith.select %gt3A_316, %get3A_313, %select_n3A_308 : vector<16xi1>, vector<16xf32>
      %get3A_324 = arith.constant 14 : i32
      %get3A_325 = arith.index_cast %get3A_324 : i32 to index
      %get3A_326 = arith.index_cast %mul3A_124 : i32 to index
      %get3A_327 = tpu.vector_load %arg6[%get3A_325, %get3A_326] {strides = array<i32>} : memref<16x512xf32, #tpu.memory_space<vmem>>, vector<1x16xf32>,
      %get3A_328 = vector.shape_cast %get3A_327 : vector<1x16xf32> to vector<16xf32>
      %broadcast_in_dim3A_329 = arith.constant 14 : i32
      %broadcast_in_dim3A_330 = vector.broadcast %broadcast_in_dim3A_329 : i32 to vector<16xi32>
      %gt3A_331 = arith.cmpf ogt, %get3A_328, %select_n3A_323 : vector<16xf32>
      %gt3A_332 = arith.cmpf ogt, %get3A_328, %select_n3A_321 : vector<16xf32>
      %select_n3A_333 = arith.select %gt3A_332, %broadcast_in_dim3A_330, %select_n3A_319 : vector<16xi1>, vector<16xi32>
      %select_n3A_334 = arith.select %gt3A_331, %select_n3A_322, %select_n3A_333 : vector<16xi1>, vector<16xi32>
      %select_n3A_335 = arith.select %gt3A_332, %get3A_328, %select_n3A_321 : vector<16xi1>, vector<16xf32>
      %select_n3A_336 = arith.select %gt3A_331, %select_n3A_323, %select_n3A_335 : vector<16xi1>, vector<16xf32>
      %select_n3A_337 = arith.select %gt3A_331, %broadcast_in_dim3A_330, %select_n3A_322 : vector<16xi1>, vector<16xi32>
      %select_n3A_338 = arith.select %gt3A_331, %get3A_328, %select_n3A_323 : vector<16xi1>, vector<16xf32>
      %get3A_339 = arith.constant 15 : i32
      %get3A_340 = arith.index_cast %get3A_339 : i32 to index
      %get3A_341 = arith.index_cast %mul3A_124 : i32 to index
      %get3A_342 = tpu.vector_load %arg6[%get3A_340, %get3A_341] {strides = array<i32>} : memref<16x512xf32, #tpu.memory_space<vmem>>, vector<1x16xf32>,
      %get3A_343 = vector.shape_cast %get3A_342 : vector<1x16xf32> to vector<16xf32>
      %broadcast_in_dim3A_344 = arith.constant 15 : i32
      %broadcast_in_dim3A_345 = vector.broadcast %broadcast_in_dim3A_344 : i32 to vector<16xi32>
      %gt3A_346 = arith.cmpf ogt, %get3A_343, %select_n3A_338 : vector<16xf32>
      %gt3A_347 = arith.cmpf ogt, %get3A_343, %select_n3A_336 : vector<16xf32>
      %select_n3A_348 = arith.select %gt3A_347, %broadcast_in_dim3A_345, %select_n3A_334 : vector<16xi1>, vector<16xi32>
      %select_n3A_349 = arith.select %gt3A_346, %select_n3A_337, %select_n3A_348 : vector<16xi1>, vector<16xi32>
      %select_n3A_350 = arith.select %gt3A_347, %get3A_343, %select_n3A_336 : vector<16xi1>, vector<16xf32>
      %select_n3A_351 = arith.select %gt3A_346, %select_n3A_338, %select_n3A_350 : vector<16xi1>, vector<16xf32>
      %select_n3A_352 = arith.select %gt3A_346, %broadcast_in_dim3A_345, %select_n3A_337 : vector<16xi1>, vector<16xi32>
      %select_n3A_353 = arith.select %gt3A_346, %get3A_343, %select_n3A_338 : vector<16xi1>, vector<16xf32>
      %sub3A = arith.subf %select_n3A_351, %select_n3A_353 : vector<16xf32>
      %exp3A = math.exp %sub3A : vector<16xf32>
      %add3A_354 = arith.constant 1.000000e+00 : f32
      %add3A_355 = vector.broadcast %add3A_354 : f32 to vector<16xf32>
      %add3A_356 = arith.addf %add3A_355, %exp3A : vector<16xf32>
      %div3A = arith.constant 1.000000e+00 : f32
      %div3A_357 = vector.broadcast %div3A : f32 to vector<16xf32>
      %div3A_358 = arith.divf %div3A_357, %add3A_356 : vector<16xf32>
      %sub3A_359 = arith.constant 1.000000e+00 : f32
      %sub3A_360 = vector.broadcast %sub3A_359 : f32 to vector<16xf32>
      %sub3A_361 = arith.subf %sub3A_360, %div3A_358 : vector<16xf32>
      %broadcast_in_dim3A_362 = arith.constant 0 : i32
      %broadcast_in_dim3A_363 = vector.broadcast %broadcast_in_dim3A_362 : i32 to vector<16xi32>
      %eq3A = arith.cmpi eq, %select_n3A_352, %broadcast_in_dim3A_363 : vector<16xi32>
      %select_n3A_364 = arith.select %eq3A, %div3A_358, %broadcast_in_dim3A_3 : vector<16xi1>, vector<16xf32>
      %eq3A_365 = arith.cmpi eq, %select_n3A_349, %broadcast_in_dim3A_363 : vector<16xi32>
      %select_n3A_366 = arith.select %eq3A_365, %sub3A_361, %broadcast_in_dim3A_3 : vector<16xi1>, vector<16xf32>
      %add3A_367 = arith.addf %select_n3A_364, %select_n3A_366 : vector<16xf32>
      %swap3A_368 = arith.constant 0 : i32
      %swap3A_369 = arith.index_cast %swap3A_368 : i32 to index
      %swap3A_370 = arith.index_cast %mul3A_124 : i32 to index
      %swap3A_371 = tpu.vector_load %arg7[%swap3A_369, %swap3A_370] {strides = array<i32>} : memref<16x512xf32, #tpu.memory_space<vmem>>, vector<1x16xf32>,
      %swap3A_372 = vector.shape_cast %swap3A_371 : vector<1x16xf32> to vector<16xf32>
      %swap3A_373 = vector.shape_cast %add3A_367 : vector<16xf32> to vector<1x16xf32>
      tpu.vector_store %arg7[%swap3A_369, %swap3A_370], %swap3A_373 {strides = array<i32>} : memref<16x512xf32, #tpu.memory_space<vmem>>, vector<1x16xf32>,
      %add3A_374 = arith.addf %scan3A_107, %add3A_367 : vector<16xf32>
      %broadcast_in_dim3A_375 = arith.constant 1 : i32
      %broadcast_in_dim3A_376 = vector.broadcast %broadcast_in_dim3A_375 : i32 to vector<16xi32>
      %eq3A_377 = arith.cmpi eq, %select_n3A_352, %broadcast_in_dim3A_376 : vector<16xi32>
      %select_n3A_378 = arith.select %eq3A_377, %div3A_358, %broadcast_in_dim3A_3 : vector<16xi1>, vector<16xf32>
      %eq3A_379 = arith.cmpi eq, %select_n3A_349, %broadcast_in_dim3A_376 : vector<16xi32>
      %select_n3A_380 = arith.select %eq3A_379, %sub3A_361, %broadcast_in_dim3A_3 : vector<16xi1>, vector<16xf32>
      %add3A_381 = arith.addf %select_n3A_378, %select_n3A_380 : vector<16xf32>
      %swap3A_382 = arith.constant 1 : i32
      %swap3A_383 = arith.index_cast %swap3A_382 : i32 to index
      %swap3A_384 = arith.index_cast %mul3A_124 : i32 to index
      %swap3A_385 = tpu.vector_load %arg7[%swap3A_383, %swap3A_384] {strides = array<i32>} : memref<16x512xf32, #tpu.memory_space<vmem>>, vector<1x16xf32>,
      %swap3A_386 = vector.shape_cast %swap3A_385 : vector<1x16xf32> to vector<16xf32>
      %swap3A_387 = vector.shape_cast %add3A_381 : vector<16xf32> to vector<1x16xf32>
      tpu.vector_store %arg7[%swap3A_383, %swap3A_384], %swap3A_387 {strides = array<i32>} : memref<16x512xf32, #tpu.memory_space<vmem>>, vector<1x16xf32>,
      %add3A_388 = arith.addf %scan3A_108, %add3A_381 : vector<16xf32>
      %broadcast_in_dim3A_389 = arith.constant 2 : i32
      %broadcast_in_dim3A_390 = vector.broadcast %broadcast_in_dim3A_389 : i32 to vector<16xi32>
      %eq3A_391 = arith.cmpi eq, %select_n3A_352, %broadcast_in_dim3A_390 : vector<16xi32>
      %select_n3A_392 = arith.select %eq3A_391, %div3A_358, %broadcast_in_dim3A_3 : vector<16xi1>, vector<16xf32>
      %eq3A_393 = arith.cmpi eq, %select_n3A_349, %broadcast_in_dim3A_390 : vector<16xi32>
      %select_n3A_394 = arith.select %eq3A_393, %sub3A_361, %broadcast_in_dim3A_3 : vector<16xi1>, vector<16xf32>
      %add3A_395 = arith.addf %select_n3A_392, %select_n3A_394 : vector<16xf32>
      %swap3A_396 = arith.constant 2 : i32
      %swap3A_397 = arith.index_cast %swap3A_396 : i32 to index
      %swap3A_398 = arith.index_cast %mul3A_124 : i32 to index
      %swap3A_399 = tpu.vector_load %arg7[%swap3A_397, %swap3A_398] {strides = array<i32>} : memref<16x512xf32, #tpu.memory_space<vmem>>, vector<1x16xf32>,
      %swap3A_400 = vector.shape_cast %swap3A_399 : vector<1x16xf32> to vector<16xf32>
      %swap3A_401 = vector.shape_cast %add3A_395 : vector<16xf32> to vector<1x16xf32>
      tpu.vector_store %arg7[%swap3A_397, %swap3A_398], %swap3A_401 {strides = array<i32>} : memref<16x512xf32, #tpu.memory_space<vmem>>, vector<1x16xf32>,
      %add3A_402 = arith.addf %scan3A_109, %add3A_395 : vector<16xf32>
      %broadcast_in_dim3A_403 = arith.constant 3 : i32
      %broadcast_in_dim3A_404 = vector.broadcast %broadcast_in_dim3A_403 : i32 to vector<16xi32>
      %eq3A_405 = arith.cmpi eq, %select_n3A_352, %broadcast_in_dim3A_404 : vector<16xi32>
      %select_n3A_406 = arith.select %eq3A_405, %div3A_358, %broadcast_in_dim3A_3 : vector<16xi1>, vector<16xf32>
      %eq3A_407 = arith.cmpi eq, %select_n3A_349, %broadcast_in_dim3A_404 : vector<16xi32>
      %select_n3A_408 = arith.select %eq3A_407, %sub3A_361, %broadcast_in_dim3A_3 : vector<16xi1>, vector<16xf32>
      %add3A_409 = arith.addf %select_n3A_406, %select_n3A_408 : vector<16xf32>
      %swap3A_410 = arith.constant 3 : i32
      %swap3A_411 = arith.index_cast %swap3A_410 : i32 to index
      %swap3A_412 = arith.index_cast %mul3A_124 : i32 to index
      %swap3A_413 = tpu.vector_load %arg7[%swap3A_411, %swap3A_412] {strides = array<i32>} : memref<16x512xf32, #tpu.memory_space<vmem>>, vector<1x16xf32>,
      %swap3A_414 = vector.shape_cast %swap3A_413 : vector<1x16xf32> to vector<16xf32>
      %swap3A_415 = vector.shape_cast %add3A_409 : vector<16xf32> to vector<1x16xf32>
      tpu.vector_store %arg7[%swap3A_411, %swap3A_412], %swap3A_415 {strides = array<i32>} : memref<16x512xf32, #tpu.memory_space<vmem>>, vector<1x16xf32>,
      %add3A_416 = arith.addf %scan3A_110, %add3A_409 : vector<16xf32>
      %broadcast_in_dim3A_417 = arith.constant 4 : i32
      %broadcast_in_dim3A_418 = vector.broadcast %broadcast_in_dim3A_417 : i32 to vector<16xi32>
      %eq3A_419 = arith.cmpi eq, %select_n3A_352, %broadcast_in_dim3A_418 : vector<16xi32>
      %select_n3A_420 = arith.select %eq3A_419, %div3A_358, %broadcast_in_dim3A_3 : vector<16xi1>, vector<16xf32>
      %eq3A_421 = arith.cmpi eq, %select_n3A_349, %broadcast_in_dim3A_418 : vector<16xi32>
      %select_n3A_422 = arith.select %eq3A_421, %sub3A_361, %broadcast_in_dim3A_3 : vector<16xi1>, vector<16xf32>
      %add3A_423 = arith.addf %select_n3A_420, %select_n3A_422 : vector<16xf32>
      %swap3A_424 = arith.constant 4 : i32
      %swap3A_425 = arith.index_cast %swap3A_424 : i32 to index
      %swap3A_426 = arith.index_cast %mul3A_124 : i32 to index
      %swap3A_427 = tpu.vector_load %arg7[%swap3A_425, %swap3A_426] {strides = array<i32>} : memref<16x512xf32, #tpu.memory_space<vmem>>, vector<1x16xf32>,
      %swap3A_428 = vector.shape_cast %swap3A_427 : vector<1x16xf32> to vector<16xf32>
      %swap3A_429 = vector.shape_cast %add3A_423 : vector<16xf32> to vector<1x16xf32>
      tpu.vector_store %arg7[%swap3A_425, %swap3A_426], %swap3A_429 {strides = array<i32>} : memref<16x512xf32, #tpu.memory_space<vmem>>, vector<1x16xf32>,
      %add3A_430 = arith.addf %scan3A_111, %add3A_423 : vector<16xf32>
      %broadcast_in_dim3A_431 = arith.constant 5 : i32
      %broadcast_in_dim3A_432 = vector.broadcast %broadcast_in_dim3A_431 : i32 to vector<16xi32>
      %eq3A_433 = arith.cmpi eq, %select_n3A_352, %broadcast_in_dim3A_432 : vector<16xi32>
      %select_n3A_434 = arith.select %eq3A_433, %div3A_358, %broadcast_in_dim3A_3 : vector<16xi1>, vector<16xf32>
      %eq3A_435 = arith.cmpi eq, %select_n3A_349, %broadcast_in_dim3A_432 : vector<16xi32>
      %select_n3A_436 = arith.select %eq3A_435, %sub3A_361, %broadcast_in_dim3A_3 : vector<16xi1>, vector<16xf32>
      %add3A_437 = arith.addf %select_n3A_434, %select_n3A_436 : vector<16xf32>
      %swap3A_438 = arith.constant 5 : i32
      %swap3A_439 = arith.index_cast %swap3A_438 : i32 to index
      %swap3A_440 = arith.index_cast %mul3A_124 : i32 to index
      %swap3A_441 = tpu.vector_load %arg7[%swap3A_439, %swap3A_440] {strides = array<i32>} : memref<16x512xf32, #tpu.memory_space<vmem>>, vector<1x16xf32>,
      %swap3A_442 = vector.shape_cast %swap3A_441 : vector<1x16xf32> to vector<16xf32>
      %swap3A_443 = vector.shape_cast %add3A_437 : vector<16xf32> to vector<1x16xf32>
      tpu.vector_store %arg7[%swap3A_439, %swap3A_440], %swap3A_443 {strides = array<i32>} : memref<16x512xf32, #tpu.memory_space<vmem>>, vector<1x16xf32>,
      %add3A_444 = arith.addf %scan3A_112, %add3A_437 : vector<16xf32>
      %broadcast_in_dim3A_445 = arith.constant 6 : i32
      %broadcast_in_dim3A_446 = vector.broadcast %broadcast_in_dim3A_445 : i32 to vector<16xi32>
      %eq3A_447 = arith.cmpi eq, %select_n3A_352, %broadcast_in_dim3A_446 : vector<16xi32>
      %select_n3A_448 = arith.select %eq3A_447, %div3A_358, %broadcast_in_dim3A_3 : vector<16xi1>, vector<16xf32>
      %eq3A_449 = arith.cmpi eq, %select_n3A_349, %broadcast_in_dim3A_446 : vector<16xi32>
      %select_n3A_450 = arith.select %eq3A_449, %sub3A_361, %broadcast_in_dim3A_3 : vector<16xi1>, vector<16xf32>
      %add3A_451 = arith.addf %select_n3A_448, %select_n3A_450 : vector<16xf32>
      %swap3A_452 = arith.constant 6 : i32
      %swap3A_453 = arith.index_cast %swap3A_452 : i32 to index
      %swap3A_454 = arith.index_cast %mul3A_124 : i32 to index
      %swap3A_455 = tpu.vector_load %arg7[%swap3A_453, %swap3A_454] {strides = array<i32>} : memref<16x512xf32, #tpu.memory_space<vmem>>, vector<1x16xf32>,
      %swap3A_456 = vector.shape_cast %swap3A_455 : vector<1x16xf32> to vector<16xf32>
      %swap3A_457 = vector.shape_cast %add3A_451 : vector<16xf32> to vector<1x16xf32>
      tpu.vector_store %arg7[%swap3A_453, %swap3A_454], %swap3A_457 {strides = array<i32>} : memref<16x512xf32, #tpu.memory_space<vmem>>, vector<1x16xf32>,
      %add3A_458 = arith.addf %scan3A_113, %add3A_451 : vector<16xf32>
      %broadcast_in_dim3A_459 = arith.constant 7 : i32
      %broadcast_in_dim3A_460 = vector.broadcast %broadcast_in_dim3A_459 : i32 to vector<16xi32>
      %eq3A_461 = arith.cmpi eq, %select_n3A_352, %broadcast_in_dim3A_460 : vector<16xi32>
      %select_n3A_462 = arith.select %eq3A_461, %div3A_358, %broadcast_in_dim3A_3 : vector<16xi1>, vector<16xf32>
      %eq3A_463 = arith.cmpi eq, %select_n3A_349, %broadcast_in_dim3A_460 : vector<16xi32>
      %select_n3A_464 = arith.select %eq3A_463, %sub3A_361, %broadcast_in_dim3A_3 : vector<16xi1>, vector<16xf32>
      %add3A_465 = arith.addf %select_n3A_462, %select_n3A_464 : vector<16xf32>
      %swap3A_466 = arith.constant 7 : i32
      %swap3A_467 = arith.index_cast %swap3A_466 : i32 to index
      %swap3A_468 = arith.index_cast %mul3A_124 : i32 to index
      %swap3A_469 = tpu.vector_load %arg7[%swap3A_467, %swap3A_468] {strides = array<i32>} : memref<16x512xf32, #tpu.memory_space<vmem>>, vector<1x16xf32>,
      %swap3A_470 = vector.shape_cast %swap3A_469 : vector<1x16xf32> to vector<16xf32>
      %swap3A_471 = vector.shape_cast %add3A_465 : vector<16xf32> to vector<1x16xf32>
      tpu.vector_store %arg7[%swap3A_467, %swap3A_468], %swap3A_471 {strides = array<i32>} : memref<16x512xf32, #tpu.memory_space<vmem>>, vector<1x16xf32>,
      %add3A_472 = arith.addf %scan3A_114, %add3A_465 : vector<16xf32>
      %broadcast_in_dim3A_473 = arith.constant 8 : i32
      %broadcast_in_dim3A_474 = vector.broadcast %broadcast_in_dim3A_473 : i32 to vector<16xi32>
      %eq3A_475 = arith.cmpi eq, %select_n3A_352, %broadcast_in_dim3A_474 : vector<16xi32>
      %select_n3A_476 = arith.select %eq3A_475, %div3A_358, %broadcast_in_dim3A_3 : vector<16xi1>, vector<16xf32>
      %eq3A_477 = arith.cmpi eq, %select_n3A_349, %broadcast_in_dim3A_474 : vector<16xi32>
      %select_n3A_478 = arith.select %eq3A_477, %sub3A_361, %broadcast_in_dim3A_3 : vector<16xi1>, vector<16xf32>
      %add3A_479 = arith.addf %select_n3A_476, %select_n3A_478 : vector<16xf32>
      %swap3A_480 = arith.constant 8 : i32
      %swap3A_481 = arith.index_cast %swap3A_480 : i32 to index
      %swap3A_482 = arith.index_cast %mul3A_124 : i32 to index
      %swap3A_483 = tpu.vector_load %arg7[%swap3A_481, %swap3A_482] {strides = array<i32>} : memref<16x512xf32, #tpu.memory_space<vmem>>, vector<1x16xf32>,
      %swap3A_484 = vector.shape_cast %swap3A_483 : vector<1x16xf32> to vector<16xf32>
      %swap3A_485 = vector.shape_cast %add3A_479 : vector<16xf32> to vector<1x16xf32>
      tpu.vector_store %arg7[%swap3A_481, %swap3A_482], %swap3A_485 {strides = array<i32>} : memref<16x512xf32, #tpu.memory_space<vmem>>, vector<1x16xf32>,
      %add3A_486 = arith.addf %scan3A_115, %add3A_479 : vector<16xf32>
      %broadcast_in_dim3A_487 = arith.constant 9 : i32
      %broadcast_in_dim3A_488 = vector.broadcast %broadcast_in_dim3A_487 : i32 to vector<16xi32>
      %eq3A_489 = arith.cmpi eq, %select_n3A_352, %broadcast_in_dim3A_488 : vector<16xi32>
      %select_n3A_490 = arith.select %eq3A_489, %div3A_358, %broadcast_in_dim3A_3 : vector<16xi1>, vector<16xf32>
      %eq3A_491 = arith.cmpi eq, %select_n3A_349, %broadcast_in_dim3A_488 : vector<16xi32>
      %select_n3A_492 = arith.select %eq3A_491, %sub3A_361, %broadcast_in_dim3A_3 : vector<16xi1>, vector<16xf32>
      %add3A_493 = arith.addf %select_n3A_490, %select_n3A_492 : vector<16xf32>
      %swap3A_494 = arith.constant 9 : i32
      %swap3A_495 = arith.index_cast %swap3A_494 : i32 to index
      %swap3A_496 = arith.index_cast %mul3A_124 : i32 to index
      %swap3A_497 = tpu.vector_load %arg7[%swap3A_495, %swap3A_496] {strides = array<i32>} : memref<16x512xf32, #tpu.memory_space<vmem>>, vector<1x16xf32>,
      %swap3A_498 = vector.shape_cast %swap3A_497 : vector<1x16xf32> to vector<16xf32>
      %swap3A_499 = vector.shape_cast %add3A_493 : vector<16xf32> to vector<1x16xf32>
      tpu.vector_store %arg7[%swap3A_495, %swap3A_496], %swap3A_499 {strides = array<i32>} : memref<16x512xf32, #tpu.memory_space<vmem>>, vector<1x16xf32>,
      %add3A_500 = arith.addf %scan3A_116, %add3A_493 : vector<16xf32>
      %broadcast_in_dim3A_501 = arith.constant 10 : i32
      %broadcast_in_dim3A_502 = vector.broadcast %broadcast_in_dim3A_501 : i32 to vector<16xi32>
      %eq3A_503 = arith.cmpi eq, %select_n3A_352, %broadcast_in_dim3A_502 : vector<16xi32>
      %select_n3A_504 = arith.select %eq3A_503, %div3A_358, %broadcast_in_dim3A_3 : vector<16xi1>, vector<16xf32>
      %eq3A_505 = arith.cmpi eq, %select_n3A_349, %broadcast_in_dim3A_502 : vector<16xi32>
      %select_n3A_506 = arith.select %eq3A_505, %sub3A_361, %broadcast_in_dim3A_3 : vector<16xi1>, vector<16xf32>
      %add3A_507 = arith.addf %select_n3A_504, %select_n3A_506 : vector<16xf32>
      %swap3A_508 = arith.constant 10 : i32
      %swap3A_509 = arith.index_cast %swap3A_508 : i32 to index
      %swap3A_510 = arith.index_cast %mul3A_124 : i32 to index
      %swap3A_511 = tpu.vector_load %arg7[%swap3A_509, %swap3A_510] {strides = array<i32>} : memref<16x512xf32, #tpu.memory_space<vmem>>, vector<1x16xf32>,
      %swap3A_512 = vector.shape_cast %swap3A_511 : vector<1x16xf32> to vector<16xf32>
      %swap3A_513 = vector.shape_cast %add3A_507 : vector<16xf32> to vector<1x16xf32>
      tpu.vector_store %arg7[%swap3A_509, %swap3A_510], %swap3A_513 {strides = array<i32>} : memref<16x512xf32, #tpu.memory_space<vmem>>, vector<1x16xf32>,
      %add3A_514 = arith.addf %scan3A_117, %add3A_507 : vector<16xf32>
      %broadcast_in_dim3A_515 = arith.constant 11 : i32
      %broadcast_in_dim3A_516 = vector.broadcast %broadcast_in_dim3A_515 : i32 to vector<16xi32>
      %eq3A_517 = arith.cmpi eq, %select_n3A_352, %broadcast_in_dim3A_516 : vector<16xi32>
      %select_n3A_518 = arith.select %eq3A_517, %div3A_358, %broadcast_in_dim3A_3 : vector<16xi1>, vector<16xf32>
      %eq3A_519 = arith.cmpi eq, %select_n3A_349, %broadcast_in_dim3A_516 : vector<16xi32>
      %select_n3A_520 = arith.select %eq3A_519, %sub3A_361, %broadcast_in_dim3A_3 : vector<16xi1>, vector<16xf32>
      %add3A_521 = arith.addf %select_n3A_518, %select_n3A_520 : vector<16xf32>
      %swap3A_522 = arith.constant 11 : i32
      %swap3A_523 = arith.index_cast %swap3A_522 : i32 to index
      %swap3A_524 = arith.index_cast %mul3A_124 : i32 to index
      %swap3A_525 = tpu.vector_load %arg7[%swap3A_523, %swap3A_524] {strides = array<i32>} : memref<16x512xf32, #tpu.memory_space<vmem>>, vector<1x16xf32>,
      %swap3A_526 = vector.shape_cast %swap3A_525 : vector<1x16xf32> to vector<16xf32>
      %swap3A_527 = vector.shape_cast %add3A_521 : vector<16xf32> to vector<1x16xf32>
      tpu.vector_store %arg7[%swap3A_523, %swap3A_524], %swap3A_527 {strides = array<i32>} : memref<16x512xf32, #tpu.memory_space<vmem>>, vector<1x16xf32>,
      %add3A_528 = arith.addf %scan3A_118, %add3A_521 : vector<16xf32>
      %broadcast_in_dim3A_529 = arith.constant 12 : i32
      %broadcast_in_dim3A_530 = vector.broadcast %broadcast_in_dim3A_529 : i32 to vector<16xi32>
      %eq3A_531 = arith.cmpi eq, %select_n3A_352, %broadcast_in_dim3A_530 : vector<16xi32>
      %select_n3A_532 = arith.select %eq3A_531, %div3A_358, %broadcast_in_dim3A_3 : vector<16xi1>, vector<16xf32>
      %eq3A_533 = arith.cmpi eq, %select_n3A_349, %broadcast_in_dim3A_530 : vector<16xi32>
      %select_n3A_534 = arith.select %eq3A_533, %sub3A_361, %broadcast_in_dim3A_3 : vector<16xi1>, vector<16xf32>
      %add3A_535 = arith.addf %select_n3A_532, %select_n3A_534 : vector<16xf32>
      %swap3A_536 = arith.constant 12 : i32
      %swap3A_537 = arith.index_cast %swap3A_536 : i32 to index
      %swap3A_538 = arith.index_cast %mul3A_124 : i32 to index
      %swap3A_539 = tpu.vector_load %arg7[%swap3A_537, %swap3A_538] {strides = array<i32>} : memref<16x512xf32, #tpu.memory_space<vmem>>, vector<1x16xf32>,
      %swap3A_540 = vector.shape_cast %swap3A_539 : vector<1x16xf32> to vector<16xf32>
      %swap3A_541 = vector.shape_cast %add3A_535 : vector<16xf32> to vector<1x16xf32>
      tpu.vector_store %arg7[%swap3A_537, %swap3A_538], %swap3A_541 {strides = array<i32>} : memref<16x512xf32, #tpu.memory_space<vmem>>, vector<1x16xf32>,
      %add3A_542 = arith.addf %scan3A_119, %add3A_535 : vector<16xf32>
      %broadcast_in_dim3A_543 = arith.constant 13 : i32
      %broadcast_in_dim3A_544 = vector.broadcast %broadcast_in_dim3A_543 : i32 to vector<16xi32>
      %eq3A_545 = arith.cmpi eq, %select_n3A_352, %broadcast_in_dim3A_544 : vector<16xi32>
      %select_n3A_546 = arith.select %eq3A_545, %div3A_358, %broadcast_in_dim3A_3 : vector<16xi1>, vector<16xf32>
      %eq3A_547 = arith.cmpi eq, %select_n3A_349, %broadcast_in_dim3A_544 : vector<16xi32>
      %select_n3A_548 = arith.select %eq3A_547, %sub3A_361, %broadcast_in_dim3A_3 : vector<16xi1>, vector<16xf32>
      %add3A_549 = arith.addf %select_n3A_546, %select_n3A_548 : vector<16xf32>
      %swap3A_550 = arith.constant 13 : i32
      %swap3A_551 = arith.index_cast %swap3A_550 : i32 to index
      %swap3A_552 = arith.index_cast %mul3A_124 : i32 to index
      %swap3A_553 = tpu.vector_load %arg7[%swap3A_551, %swap3A_552] {strides = array<i32>} : memref<16x512xf32, #tpu.memory_space<vmem>>, vector<1x16xf32>,
      %swap3A_554 = vector.shape_cast %swap3A_553 : vector<1x16xf32> to vector<16xf32>
      %swap3A_555 = vector.shape_cast %add3A_549 : vector<16xf32> to vector<1x16xf32>
      tpu.vector_store %arg7[%swap3A_551, %swap3A_552], %swap3A_555 {strides = array<i32>} : memref<16x512xf32, #tpu.memory_space<vmem>>, vector<1x16xf32>,
      %add3A_556 = arith.addf %scan3A_120, %add3A_549 : vector<16xf32>
      %broadcast_in_dim3A_557 = arith.constant 14 : i32
      %broadcast_in_dim3A_558 = vector.broadcast %broadcast_in_dim3A_557 : i32 to vector<16xi32>
      %eq3A_559 = arith.cmpi eq, %select_n3A_352, %broadcast_in_dim3A_558 : vector<16xi32>
      %select_n3A_560 = arith.select %eq3A_559, %div3A_358, %broadcast_in_dim3A_3 : vector<16xi1>, vector<16xf32>
      %eq3A_561 = arith.cmpi eq, %select_n3A_349, %broadcast_in_dim3A_558 : vector<16xi32>
      %select_n3A_562 = arith.select %eq3A_561, %sub3A_361, %broadcast_in_dim3A_3 : vector<16xi1>, vector<16xf32>
      %add3A_563 = arith.addf %select_n3A_560, %select_n3A_562 : vector<16xf32>
      %swap3A_564 = arith.constant 14 : i32
      %swap3A_565 = arith.index_cast %swap3A_564 : i32 to index
      %swap3A_566 = arith.index_cast %mul3A_124 : i32 to index
      %swap3A_567 = tpu.vector_load %arg7[%swap3A_565, %swap3A_566] {strides = array<i32>} : memref<16x512xf32, #tpu.memory_space<vmem>>, vector<1x16xf32>,
      %swap3A_568 = vector.shape_cast %swap3A_567 : vector<1x16xf32> to vector<16xf32>
      %swap3A_569 = vector.shape_cast %add3A_563 : vector<16xf32> to vector<1x16xf32>
      tpu.vector_store %arg7[%swap3A_565, %swap3A_566], %swap3A_569 {strides = array<i32>} : memref<16x512xf32, #tpu.memory_space<vmem>>, vector<1x16xf32>,
      %add3A_570 = arith.addf %scan3A_121, %add3A_563 : vector<16xf32>
      %broadcast_in_dim3A_571 = arith.constant 15 : i32
      %broadcast_in_dim3A_572 = vector.broadcast %broadcast_in_dim3A_571 : i32 to vector<16xi32>
      %eq3A_573 = arith.cmpi eq, %select_n3A_352, %broadcast_in_dim3A_572 : vector<16xi32>
      %select_n3A_574 = arith.select %eq3A_573, %div3A_358, %broadcast_in_dim3A_3 : vector<16xi1>, vector<16xf32>
      %eq3A_575 = arith.cmpi eq, %select_n3A_349, %broadcast_in_dim3A_572 : vector<16xi32>
      %select_n3A_576 = arith.select %eq3A_575, %sub3A_361, %broadcast_in_dim3A_3 : vector<16xi1>, vector<16xf32>
      %add3A_577 = arith.addf %select_n3A_574, %select_n3A_576 : vector<16xf32>
      %swap3A_578 = arith.constant 15 : i32
      %swap3A_579 = arith.index_cast %swap3A_578 : i32 to index
      %swap3A_580 = arith.index_cast %mul3A_124 : i32 to index
      %swap3A_581 = tpu.vector_load %arg7[%swap3A_579, %swap3A_580] {strides = array<i32>} : memref<16x512xf32, #tpu.memory_space<vmem>>, vector<1x16xf32>,
      %swap3A_582 = vector.shape_cast %swap3A_581 : vector<1x16xf32> to vector<16xf32>
      %swap3A_583 = vector.shape_cast %add3A_577 : vector<16xf32> to vector<1x16xf32>
      tpu.vector_store %arg7[%swap3A_579, %swap3A_580], %swap3A_583 {strides = array<i32>} : memref<16x512xf32, #tpu.memory_space<vmem>>, vector<1x16xf32>,
      %add3A_584 = arith.addf %scan3A_122, %add3A_577 : vector<16xf32>
      %swap3A_585 = arith.constant 0 : i32
      %swap3A_586 = arith.index_cast %swap3A_585 : i32 to index
      %swap3A_587 = arith.index_cast %mul3A_124 : i32 to index
      %swap3A_588 = tpu.vector_load %arg8[%swap3A_586, %swap3A_587] {strides = array<i32>} : memref<2x512xi32, #tpu.memory_space<vmem>>, vector<1x16xi32>,
      %swap3A_589 = vector.shape_cast %swap3A_588 : vector<1x16xi32> to vector<16xi32>
      %swap3A_590 = vector.shape_cast %select_n3A_352 : vector<16xi32> to vector<1x16xi32>
      tpu.vector_store %arg8[%swap3A_586, %swap3A_587], %swap3A_590 {strides = array<i32>} : memref<2x512xi32, #tpu.memory_space<vmem>>, vector<1x16xi32>,
      %swap3A_591 = arith.constant 1 : i32
      %swap3A_592 = arith.index_cast %swap3A_591 : i32 to index
      %swap3A_593 = arith.index_cast %mul3A_124 : i32 to index
      %swap3A_594 = tpu.vector_load %arg8[%swap3A_592, %swap3A_593] {strides = array<i32>} : memref<2x512xi32, #tpu.memory_space<vmem>>, vector<1x16xi32>,
      %swap3A_595 = vector.shape_cast %swap3A_594 : vector<1x16xi32> to vector<16xi32>
      %swap3A_596 = vector.shape_cast %select_n3A_349 : vector<16xi32> to vector<1x16xi32>
      tpu.vector_store %arg8[%swap3A_592, %swap3A_593], %swap3A_596 {strides = array<i32>} : memref<2x512xi32, #tpu.memory_space<vmem>>, vector<1x16xi32>,
      scf.yield %add3A_374, %add3A_388, %add3A_402, %add3A_416, %add3A_430, %add3A_444, %add3A_458, %add3A_472, %add3A_486, %add3A_500, %add3A_514, %add3A_528, %add3A_542, %add3A_556, %add3A_570, %add3A_584 : vector<16xf32>, vector<16xf32>, vector<16xf32>, vector<16xf32>, vector<16xf32>, vector<16xf32>, vector<16xf32>, vector<16xf32>, vector<16xf32>, vector<16xf32>, vector<16xf32>, vector<16xf32>, vector<16xf32>, vector<16xf32>, vector<16xf32>, vector<16xf32>
    }
    %scan3A_10 = arith.constant 32 : i32
    %swap3A = arith.constant 0 : i32
    %swap3A_11 = arith.index_cast %swap3A : i32 to index
    %swap3A_12 = arith.constant 0 : index
    %swap3A_13 = tpu.vector_load %arg9[%swap3A_11, %swap3A_12] {strides = array<i32>} : memref<16x16xf32, #tpu.memory_space<vmem>>, vector<1x16xf32>,
    %swap3A_14 = vector.shape_cast %swap3A_13 : vector<1x16xf32> to vector<16xf32>
    %swap3A_15 = vector.shape_cast %scan3A_9#0 : vector<16xf32> to vector<1x16xf32>
    tpu.vector_store %arg9[%swap3A_11, %swap3A_12], %swap3A_15 {strides = array<i32>} : memref<16x16xf32, #tpu.memory_space<vmem>>, vector<1x16xf32>,
    %swap3A_16 = arith.constant 1 : i32
    %swap3A_17 = arith.index_cast %swap3A_16 : i32 to index
    %swap3A_18 = arith.constant 0 : index
    %swap3A_19 = tpu.vector_load %arg9[%swap3A_17, %swap3A_18] {strides = array<i32>} : memref<16x16xf32, #tpu.memory_space<vmem>>, vector<1x16xf32>,
    %swap3A_20 = vector.shape_cast %swap3A_19 : vector<1x16xf32> to vector<16xf32>
    %swap3A_21 = vector.shape_cast %scan3A_9#1 : vector<16xf32> to vector<1x16xf32>
    tpu.vector_store %arg9[%swap3A_17, %swap3A_18], %swap3A_21 {strides = array<i32>} : memref<16x16xf32, #tpu.memory_space<vmem>>, vector<1x16xf32>,
    %swap3A_22 = arith.constant 2 : i32
    %swap3A_23 = arith.index_cast %swap3A_22 : i32 to index
    %swap3A_24 = arith.constant 0 : index
    %swap3A_25 = tpu.vector_load %arg9[%swap3A_23, %swap3A_24] {strides = array<i32>} : memref<16x16xf32, #tpu.memory_space<vmem>>, vector<1x16xf32>,
    %swap3A_26 = vector.shape_cast %swap3A_25 : vector<1x16xf32> to vector<16xf32>
    %swap3A_27 = vector.shape_cast %scan3A_9#2 : vector<16xf32> to vector<1x16xf32>
    tpu.vector_store %arg9[%swap3A_23, %swap3A_24], %swap3A_27 {strides = array<i32>} : memref<16x16xf32, #tpu.memory_space<vmem>>, vector<1x16xf32>,
    %swap3A_28 = arith.constant 3 : i32
    %swap3A_29 = arith.index_cast %swap3A_28 : i32 to index
    %swap3A_30 = arith.constant 0 : index
    %swap3A_31 = tpu.vector_load %arg9[%swap3A_29, %swap3A_30] {strides = array<i32>} : memref<16x16xf32, #tpu.memory_space<vmem>>, vector<1x16xf32>,
    %swap3A_32 = vector.shape_cast %swap3A_31 : vector<1x16xf32> to vector<16xf32>
    %swap3A_33 = vector.shape_cast %scan3A_9#3 : vector<16xf32> to vector<1x16xf32>
    tpu.vector_store %arg9[%swap3A_29, %swap3A_30], %swap3A_33 {strides = array<i32>} : memref<16x16xf32, #tpu.memory_space<vmem>>, vector<1x16xf32>,
    %swap3A_34 = arith.constant 4 : i32
    %swap3A_35 = arith.index_cast %swap3A_34 : i32 to index
    %swap3A_36 = arith.constant 0 : index
    %swap3A_37 = tpu.vector_load %arg9[%swap3A_35, %swap3A_36] {strides = array<i32>} : memref<16x16xf32, #tpu.memory_space<vmem>>, vector<1x16xf32>,
    %swap3A_38 = vector.shape_cast %swap3A_37 : vector<1x16xf32> to vector<16xf32>
    %swap3A_39 = vector.shape_cast %scan3A_9#4 : vector<16xf32> to vector<1x16xf32>
    tpu.vector_store %arg9[%swap3A_35, %swap3A_36], %swap3A_39 {strides = array<i32>} : memref<16x16xf32, #tpu.memory_space<vmem>>, vector<1x16xf32>,
    %swap3A_40 = arith.constant 5 : i32
    %swap3A_41 = arith.index_cast %swap3A_40 : i32 to index
    %swap3A_42 = arith.constant 0 : index
    %swap3A_43 = tpu.vector_load %arg9[%swap3A_41, %swap3A_42] {strides = array<i32>} : memref<16x16xf32, #tpu.memory_space<vmem>>, vector<1x16xf32>,
    %swap3A_44 = vector.shape_cast %swap3A_43 : vector<1x16xf32> to vector<16xf32>
    %swap3A_45 = vector.shape_cast %scan3A_9#5 : vector<16xf32> to vector<1x16xf32>
    tpu.vector_store %arg9[%swap3A_41, %swap3A_42], %swap3A_45 {strides = array<i32>} : memref<16x16xf32, #tpu.memory_space<vmem>>, vector<1x16xf32>,
    %swap3A_46 = arith.constant 6 : i32
    %swap3A_47 = arith.index_cast %swap3A_46 : i32 to index
    %swap3A_48 = arith.constant 0 : index
    %swap3A_49 = tpu.vector_load %arg9[%swap3A_47, %swap3A_48] {strides = array<i32>} : memref<16x16xf32, #tpu.memory_space<vmem>>, vector<1x16xf32>,
    %swap3A_50 = vector.shape_cast %swap3A_49 : vector<1x16xf32> to vector<16xf32>
    %swap3A_51 = vector.shape_cast %scan3A_9#6 : vector<16xf32> to vector<1x16xf32>
    tpu.vector_store %arg9[%swap3A_47, %swap3A_48], %swap3A_51 {strides = array<i32>} : memref<16x16xf32, #tpu.memory_space<vmem>>, vector<1x16xf32>,
    %swap3A_52 = arith.constant 7 : i32
    %swap3A_53 = arith.index_cast %swap3A_52 : i32 to index
    %swap3A_54 = arith.constant 0 : index
    %swap3A_55 = tpu.vector_load %arg9[%swap3A_53, %swap3A_54] {strides = array<i32>} : memref<16x16xf32, #tpu.memory_space<vmem>>, vector<1x16xf32>,
    %swap3A_56 = vector.shape_cast %swap3A_55 : vector<1x16xf32> to vector<16xf32>
    %swap3A_57 = vector.shape_cast %scan3A_9#7 : vector<16xf32> to vector<1x16xf32>
    tpu.vector_store %arg9[%swap3A_53, %swap3A_54], %swap3A_57 {strides = array<i32>} : memref<16x16xf32, #tpu.memory_space<vmem>>, vector<1x16xf32>,
    %swap3A_58 = arith.constant 8 : i32
    %swap3A_59 = arith.index_cast %swap3A_58 : i32 to index
    %swap3A_60 = arith.constant 0 : index
    %swap3A_61 = tpu.vector_load %arg9[%swap3A_59, %swap3A_60] {strides = array<i32>} : memref<16x16xf32, #tpu.memory_space<vmem>>, vector<1x16xf32>,
    %swap3A_62 = vector.shape_cast %swap3A_61 : vector<1x16xf32> to vector<16xf32>
    %swap3A_63 = vector.shape_cast %scan3A_9#8 : vector<16xf32> to vector<1x16xf32>
    tpu.vector_store %arg9[%swap3A_59, %swap3A_60], %swap3A_63 {strides = array<i32>} : memref<16x16xf32, #tpu.memory_space<vmem>>, vector<1x16xf32>,
    %swap3A_64 = arith.constant 9 : i32
    %swap3A_65 = arith.index_cast %swap3A_64 : i32 to index
    %swap3A_66 = arith.constant 0 : index
    %swap3A_67 = tpu.vector_load %arg9[%swap3A_65, %swap3A_66] {strides = array<i32>} : memref<16x16xf32, #tpu.memory_space<vmem>>, vector<1x16xf32>,
    %swap3A_68 = vector.shape_cast %swap3A_67 : vector<1x16xf32> to vector<16xf32>
    %swap3A_69 = vector.shape_cast %scan3A_9#9 : vector<16xf32> to vector<1x16xf32>
    tpu.vector_store %arg9[%swap3A_65, %swap3A_66], %swap3A_69 {strides = array<i32>} : memref<16x16xf32, #tpu.memory_space<vmem>>, vector<1x16xf32>,
    %swap3A_70 = arith.constant 10 : i32
    %swap3A_71 = arith.index_cast %swap3A_70 : i32 to index
    %swap3A_72 = arith.constant 0 : index
    %swap3A_73 = tpu.vector_load %arg9[%swap3A_71, %swap3A_72] {strides = array<i32>} : memref<16x16xf32, #tpu.memory_space<vmem>>, vector<1x16xf32>,
    %swap3A_74 = vector.shape_cast %swap3A_73 : vector<1x16xf32> to vector<16xf32>
    %swap3A_75 = vector.shape_cast %scan3A_9#10 : vector<16xf32> to vector<1x16xf32>
    tpu.vector_store %arg9[%swap3A_71, %swap3A_72], %swap3A_75 {strides = array<i32>} : memref<16x16xf32, #tpu.memory_space<vmem>>, vector<1x16xf32>,
    %swap3A_76 = arith.constant 11 : i32
    %swap3A_77 = arith.index_cast %swap3A_76 : i32 to index
    %swap3A_78 = arith.constant 0 : index
    %swap3A_79 = tpu.vector_load %arg9[%swap3A_77, %swap3A_78] {strides = array<i32>} : memref<16x16xf32, #tpu.memory_space<vmem>>, vector<1x16xf32>,
    %swap3A_80 = vector.shape_cast %swap3A_79 : vector<1x16xf32> to vector<16xf32>
    %swap3A_81 = vector.shape_cast %scan3A_9#11 : vector<16xf32> to vector<1x16xf32>
    tpu.vector_store %arg9[%swap3A_77, %swap3A_78], %swap3A_81 {strides = array<i32>} : memref<16x16xf32, #tpu.memory_space<vmem>>, vector<1x16xf32>,
    %swap3A_82 = arith.constant 12 : i32
    %swap3A_83 = arith.index_cast %swap3A_82 : i32 to index
    %swap3A_84 = arith.constant 0 : index
    %swap3A_85 = tpu.vector_load %arg9[%swap3A_83, %swap3A_84] {strides = array<i32>} : memref<16x16xf32, #tpu.memory_space<vmem>>, vector<1x16xf32>,
    %swap3A_86 = vector.shape_cast %swap3A_85 : vector<1x16xf32> to vector<16xf32>
    %swap3A_87 = vector.shape_cast %scan3A_9#12 : vector<16xf32> to vector<1x16xf32>
    tpu.vector_store %arg9[%swap3A_83, %swap3A_84], %swap3A_87 {strides = array<i32>} : memref<16x16xf32, #tpu.memory_space<vmem>>, vector<1x16xf32>,
    %swap3A_88 = arith.constant 13 : i32
    %swap3A_89 = arith.index_cast %swap3A_88 : i32 to index
    %swap3A_90 = arith.constant 0 : index
    %swap3A_91 = tpu.vector_load %arg9[%swap3A_89, %swap3A_90] {strides = array<i32>} : memref<16x16xf32, #tpu.memory_space<vmem>>, vector<1x16xf32>,
    %swap3A_92 = vector.shape_cast %swap3A_91 : vector<1x16xf32> to vector<16xf32>
    %swap3A_93 = vector.shape_cast %scan3A_9#13 : vector<16xf32> to vector<1x16xf32>
    tpu.vector_store %arg9[%swap3A_89, %swap3A_90], %swap3A_93 {strides = array<i32>} : memref<16x16xf32, #tpu.memory_space<vmem>>, vector<1x16xf32>,
    %swap3A_94 = arith.constant 14 : i32
    %swap3A_95 = arith.index_cast %swap3A_94 : i32 to index
    %swap3A_96 = arith.constant 0 : index
    %swap3A_97 = tpu.vector_load %arg9[%swap3A_95, %swap3A_96] {strides = array<i32>} : memref<16x16xf32, #tpu.memory_space<vmem>>, vector<1x16xf32>,
    %swap3A_98 = vector.shape_cast %swap3A_97 : vector<1x16xf32> to vector<16xf32>
    %swap3A_99 = vector.shape_cast %scan3A_9#14 : vector<16xf32> to vector<1x16xf32>
    tpu.vector_store %arg9[%swap3A_95, %swap3A_96], %swap3A_99 {strides = array<i32>} : memref<16x16xf32, #tpu.memory_space<vmem>>, vector<1x16xf32>,
    %swap3A_100 = arith.constant 15 : i32
    %swap3A_101 = arith.index_cast %swap3A_100 : i32 to index
    %swap3A_102 = arith.constant 0 : index
    %swap3A_103 = tpu.vector_load %arg9[%swap3A_101, %swap3A_102] {strides = array<i32>} : memref<16x16xf32, #tpu.memory_space<vmem>>, vector<1x16xf32>,
    %swap3A_104 = vector.shape_cast %swap3A_103 : vector<1x16xf32> to vector<16xf32>
    %swap3A_105 = vector.shape_cast %scan3A_9#15 : vector<16xf32> to vector<1x16xf32>
    tpu.vector_store %arg9[%swap3A_101, %swap3A_102], %swap3A_105 {strides = array<i32>} : memref<16x16xf32, #tpu.memory_space<vmem>>, vector<1x16xf32>,
    "tpu.region"() ({
      %run_scoped3A = tpu.sem_alloc : memref<!tpu.dma_semaphore, #tpu.memory_space<semaphore_mem>>
      %dma_start3A = arith.constant 0 : i32
      %dma_start3A_106 = tpu.memref_slice %arg3[%dma_start3A, %mul3A_2] : memref<16x16384xf32, #tpu.memory_space<hbm>> -> memref<16x512xf32, #tpu.memory_space<hbm>>
      %dma_start3A_107 = arith.constant 0 : i32
      %dma_start3A_108 = tpu.memref_slice %arg3[%dma_start3A_107, %mul3A_2] : memref<16x16384xf32, #tpu.memory_space<hbm>> -> memref<16x512xf32, #tpu.memory_space<hbm>>
      tpu.enqueue_dma source(%arg7 : memref<16x512xf32, #tpu.memory_space<vmem>>) target(%dma_start3A_108 : memref<16x512xf32, #tpu.memory_space<hbm>>) target_semaphore(%run_scoped3A : memref<!tpu.dma_semaphore, #tpu.memory_space<semaphore_mem>>)
      %dma_wait3A = arith.constant 0 : i32
      %dma_wait3A_109 = tpu.memref_slice %arg3[%dma_wait3A, %mul3A_2] : memref<16x16384xf32, #tpu.memory_space<hbm>> -> memref<16x512xf32, #tpu.memory_space<hbm>>
      %dma_wait3A_110 = arith.constant 0 : i32
      %dma_wait3A_111 = tpu.memref_slice %arg3[%dma_wait3A_110, %mul3A_2] : memref<16x16384xf32, #tpu.memory_space<hbm>> -> memref<16x512xf32, #tpu.memory_space<hbm>>
      tpu.wait_dma2 semaphore(%run_scoped3A : memref<!tpu.dma_semaphore, #tpu.memory_space<semaphore_mem>>) src(%arg7 : memref<16x512xf32, #tpu.memory_space<vmem>>) dst(%dma_wait3A_111 : memref<16x512xf32, #tpu.memory_space<hbm>>)
      tpu.yield
    }) : () -> ()
    "tpu.region"() ({
      %run_scoped3A = tpu.sem_alloc : memref<!tpu.dma_semaphore, #tpu.memory_space<semaphore_mem>>
      %dma_start3A = arith.constant 0 : i32
      %dma_start3A_106 = tpu.memref_slice %arg4[%dma_start3A, %mul3A_2] : memref<2x16384xi32, #tpu.memory_space<hbm>> -> memref<2x512xi32, #tpu.memory_space<hbm>>
      %dma_start3A_107 = arith.constant 0 : i32
      %dma_start3A_108 = tpu.memref_slice %arg4[%dma_start3A_107, %mul3A_2] : memref<2x16384xi32, #tpu.memory_space<hbm>> -> memref<2x512xi32, #tpu.memory_space<hbm>>
      tpu.enqueue_dma source(%arg8 : memref<2x512xi32, #tpu.memory_space<vmem>>) target(%dma_start3A_108 : memref<2x512xi32, #tpu.memory_space<hbm>>) target_semaphore(%run_scoped3A : memref<!tpu.dma_semaphore, #tpu.memory_space<semaphore_mem>>)
      %dma_wait3A = arith.constant 0 : i32
      %dma_wait3A_109 = tpu.memref_slice %arg4[%dma_wait3A, %mul3A_2] : memref<2x16384xi32, #tpu.memory_space<hbm>> -> memref<2x512xi32, #tpu.memory_space<hbm>>
      %dma_wait3A_110 = arith.constant 0 : i32
      %dma_wait3A_111 = tpu.memref_slice %arg4[%dma_wait3A_110, %mul3A_2] : memref<2x16384xi32, #tpu.memory_space<hbm>> -> memref<2x512xi32, #tpu.memory_space<hbm>>
      tpu.wait_dma2 semaphore(%run_scoped3A : memref<!tpu.dma_semaphore, #tpu.memory_space<semaphore_mem>>) src(%arg8 : memref<2x512xi32, #tpu.memory_space<vmem>>) dst(%dma_wait3A_111 : memref<2x512xi32, #tpu.memory_space<hbm>>)
      tpu.yield
    }) : () -> ()
    "tpu.region"() ({
      %run_scoped3A = tpu.sem_alloc : memref<!tpu.dma_semaphore, #tpu.memory_space<semaphore_mem>>
      %dma_start3A = arith.constant 0 : i32
      %dma_start3A_106 = arith.constant 0 : i32
      %dma_start3A_107 = tpu.memref_slice %arg5[%add3A, %dma_start3A, %dma_start3A_106] : memref<32x16x16xf32, #tpu.memory_space<hbm>> -> memref<1x16x16xf32, #tpu.memory_space<hbm>>
      %dma_start3A_108 = tpu.memref_squeeze %dma_start3A_107 : memref<1x16x16xf32, #tpu.memory_space<hbm>> -> memref<16x16xf32, #tpu.memory_space<hbm>>
      %dma_start3A_109 = arith.constant 0 : i32
      %dma_start3A_110 = arith.constant 0 : i32
      %dma_start3A_111 = tpu.memref_slice %arg5[%add3A, %dma_start3A_109, %dma_start3A_110] : memref<32x16x16xf32, #tpu.memory_space<hbm>> -> memref<1x16x16xf32, #tpu.memory_space<hbm>>
      %dma_start3A_112 = tpu.memref_squeeze %dma_start3A_111 : memref<1x16x16xf32, #tpu.memory_space<hbm>> -> memref<16x16xf32, #tpu.memory_space<hbm>>
      tpu.enqueue_dma source(%arg9 : memref<16x16xf32, #tpu.memory_space<vmem>>) target(%dma_start3A_112 : memref<16x16xf32, #tpu.memory_space<hbm>>) target_semaphore(%run_scoped3A : memref<!tpu.dma_semaphore, #tpu.memory_space<semaphore_mem>>)
      %dma_wait3A = arith.constant 0 : i32
      %dma_wait3A_113 = arith.constant 0 : i32
      %dma_wait3A_114 = tpu.memref_slice %arg5[%add3A, %dma_wait3A, %dma_wait3A_113] : memref<32x16x16xf32, #tpu.memory_space<hbm>> -> memref<1x16x16xf32, #tpu.memory_space<hbm>>
      %dma_wait3A_115 = tpu.memref_squeeze %dma_wait3A_114 : memref<1x16x16xf32, #tpu.memory_space<hbm>> -> memref<16x16xf32, #tpu.memory_space<hbm>>
      %dma_wait3A_116 = arith.constant 0 : i32
      %dma_wait3A_117 = arith.constant 0 : i32
      %dma_wait3A_118 = tpu.memref_slice %arg5[%add3A, %dma_wait3A_116, %dma_wait3A_117] : memref<32x16x16xf32, #tpu.memory_space<hbm>> -> memref<1x16x16xf32, #tpu.memory_space<hbm>>
      %dma_wait3A_119 = tpu.memref_squeeze %dma_wait3A_118 : memref<1x16x16xf32, #tpu.memory_space<hbm>> -> memref<16x16xf32, #tpu.memory_space<hbm>>
      tpu.wait_dma2 semaphore(%run_scoped3A : memref<!tpu.dma_semaphore, #tpu.memory_space<semaphore_mem>>) src(%arg9 : memref<16x16xf32, #tpu.memory_space<vmem>>) dst(%dma_wait3A_119 : memref<16x16xf32, #tpu.memory_space<hbm>>)
      tpu.yield
    }) : () -> ()
    return
  }
}

module attributes {stable_mosaic.version = 14 : i64} {
  func.func @_logits_block(%arg0: i32, %arg1: memref<16384x2048xf32, #tpu.memory_space<hbm>>, %arg2: memref<16x2048xf32, #tpu.memory_space<vmem>>, %arg3: memref<16x512xf32, #tpu.memory_space<vmem>>, %arg4: memref<6x512x2048xf32, #tpu.memory_space<vmem>>, %arg5: memref<6x!tpu.dma_semaphore, #tpu.memory_space<semaphore_mem>>) attributes {dimension_semantics = [#tpu.dimension_semantics<arbitrary>], iteration_bounds = array<i64: 32>, scalar_prefetch = 0 : i64, scratch_operands = 2 : i64, tpu.core_type = #tpu.core_type<tc>, window_params = [{}, {pipeline_mode = #tpu.pipeline_mode<synchronous>, transform_indices = @transform_1, window_bounds = array<i64: 16, 2048>}, {transform_indices = @transform_2, window_bounds = array<i64: 16, 512>}]} {
    %eq3A = arith.constant 0 : i32
    %eq3A_0 = arith.cmpi eq, %arg0, %eq3A : i32
    %convert_element_type3A = arith.extui %eq3A_0 : i1 to i32
    %cond3A = arith.constant 0 : i32
    %cond3A_1 = arith.cmpi ne, %convert_element_type3A, %cond3A : i32
    scf.if %cond3A_1 {
      %dma_start3A = arith.constant 0 : i32
      %dma_start3A_26 = arith.constant 0 : i32
      %dma_start3A_27 = tpu.memref_slice %arg5[%dma_start3A_26] : memref<6x!tpu.dma_semaphore, #tpu.memory_space<semaphore_mem>> -> memref<1x!tpu.dma_semaphore, #tpu.memory_space<semaphore_mem>>
      %dma_start3A_28 = tpu.memref_squeeze %dma_start3A_27 : memref<1x!tpu.dma_semaphore, #tpu.memory_space<semaphore_mem>> -> memref<!tpu.dma_semaphore, #tpu.memory_space<semaphore_mem>>
      %dma_start3A_29 = arith.constant 0 : i32
      %dma_start3A_30 = arith.constant 0 : i32
      %dma_start3A_31 = tpu.memref_slice %arg4[%dma_start3A, %dma_start3A_29, %dma_start3A_30] : memref<6x512x2048xf32, #tpu.memory_space<vmem>> -> memref<1x512x2048xf32, #tpu.memory_space<vmem>>
      %dma_start3A_32 = tpu.memref_squeeze %dma_start3A_31 : memref<1x512x2048xf32, #tpu.memory_space<vmem>> -> memref<512x2048xf32, #tpu.memory_space<vmem>>
      %dma_start3A_33 = arith.constant 0 : i32
      %dma_start3A_34 = arith.constant 0 : i32
      %dma_start3A_35 = tpu.memref_slice %arg1[%dma_start3A_33, %dma_start3A_34] : memref<16384x2048xf32, #tpu.memory_space<hbm>> -> memref<512x2048xf32, #tpu.memory_space<hbm>>
      tpu.enqueue_dma source(%dma_start3A_35 : memref<512x2048xf32, #tpu.memory_space<hbm>>) target(%dma_start3A_32 : memref<512x2048xf32, #tpu.memory_space<vmem>>) target_semaphore(%dma_start3A_28 : memref<!tpu.dma_semaphore, #tpu.memory_space<semaphore_mem>>)
      %dma_start3A_36 = arith.constant 1 : i32
      %dma_start3A_37 = arith.constant 1 : i32
      %dma_start3A_38 = tpu.memref_slice %arg5[%dma_start3A_37] : memref<6x!tpu.dma_semaphore, #tpu.memory_space<semaphore_mem>> -> memref<1x!tpu.dma_semaphore, #tpu.memory_space<semaphore_mem>>
      %dma_start3A_39 = tpu.memref_squeeze %dma_start3A_38 : memref<1x!tpu.dma_semaphore, #tpu.memory_space<semaphore_mem>> -> memref<!tpu.dma_semaphore, #tpu.memory_space<semaphore_mem>>
      %dma_start3A_40 = arith.constant 0 : i32
      %dma_start3A_41 = arith.constant 0 : i32
      %dma_start3A_42 = tpu.memref_slice %arg4[%dma_start3A_36, %dma_start3A_40, %dma_start3A_41] : memref<6x512x2048xf32, #tpu.memory_space<vmem>> -> memref<1x512x2048xf32, #tpu.memory_space<vmem>>
      %dma_start3A_43 = tpu.memref_squeeze %dma_start3A_42 : memref<1x512x2048xf32, #tpu.memory_space<vmem>> -> memref<512x2048xf32, #tpu.memory_space<vmem>>
      %dma_start3A_44 = arith.constant 512 : i32
      %dma_start3A_45 = arith.constant 0 : i32
      %dma_start3A_46 = tpu.memref_slice %arg1[%dma_start3A_44, %dma_start3A_45] : memref<16384x2048xf32, #tpu.memory_space<hbm>> -> memref<512x2048xf32, #tpu.memory_space<hbm>>
      tpu.enqueue_dma source(%dma_start3A_46 : memref<512x2048xf32, #tpu.memory_space<hbm>>) target(%dma_start3A_43 : memref<512x2048xf32, #tpu.memory_space<vmem>>) target_semaphore(%dma_start3A_39 : memref<!tpu.dma_semaphore, #tpu.memory_space<semaphore_mem>>)
      %dma_start3A_47 = arith.constant 2 : i32
      %dma_start3A_48 = arith.constant 2 : i32
      %dma_start3A_49 = tpu.memref_slice %arg5[%dma_start3A_48] : memref<6x!tpu.dma_semaphore, #tpu.memory_space<semaphore_mem>> -> memref<1x!tpu.dma_semaphore, #tpu.memory_space<semaphore_mem>>
      %dma_start3A_50 = tpu.memref_squeeze %dma_start3A_49 : memref<1x!tpu.dma_semaphore, #tpu.memory_space<semaphore_mem>> -> memref<!tpu.dma_semaphore, #tpu.memory_space<semaphore_mem>>
      %dma_start3A_51 = arith.constant 0 : i32
      %dma_start3A_52 = arith.constant 0 : i32
      %dma_start3A_53 = tpu.memref_slice %arg4[%dma_start3A_47, %dma_start3A_51, %dma_start3A_52] : memref<6x512x2048xf32, #tpu.memory_space<vmem>> -> memref<1x512x2048xf32, #tpu.memory_space<vmem>>
      %dma_start3A_54 = tpu.memref_squeeze %dma_start3A_53 : memref<1x512x2048xf32, #tpu.memory_space<vmem>> -> memref<512x2048xf32, #tpu.memory_space<vmem>>
      %dma_start3A_55 = arith.constant 1024 : i32
      %dma_start3A_56 = arith.constant 0 : i32
      %dma_start3A_57 = tpu.memref_slice %arg1[%dma_start3A_55, %dma_start3A_56] : memref<16384x2048xf32, #tpu.memory_space<hbm>> -> memref<512x2048xf32, #tpu.memory_space<hbm>>
      tpu.enqueue_dma source(%dma_start3A_57 : memref<512x2048xf32, #tpu.memory_space<hbm>>) target(%dma_start3A_54 : memref<512x2048xf32, #tpu.memory_space<vmem>>) target_semaphore(%dma_start3A_50 : memref<!tpu.dma_semaphore, #tpu.memory_space<semaphore_mem>>)
      %dma_start3A_58 = arith.constant 3 : i32
      %dma_start3A_59 = arith.constant 3 : i32
      %dma_start3A_60 = tpu.memref_slice %arg5[%dma_start3A_59] : memref<6x!tpu.dma_semaphore, #tpu.memory_space<semaphore_mem>> -> memref<1x!tpu.dma_semaphore, #tpu.memory_space<semaphore_mem>>
      %dma_start3A_61 = tpu.memref_squeeze %dma_start3A_60 : memref<1x!tpu.dma_semaphore, #tpu.memory_space<semaphore_mem>> -> memref<!tpu.dma_semaphore, #tpu.memory_space<semaphore_mem>>
      %dma_start3A_62 = arith.constant 0 : i32
      %dma_start3A_63 = arith.constant 0 : i32
      %dma_start3A_64 = tpu.memref_slice %arg4[%dma_start3A_58, %dma_start3A_62, %dma_start3A_63] : memref<6x512x2048xf32, #tpu.memory_space<vmem>> -> memref<1x512x2048xf32, #tpu.memory_space<vmem>>
      %dma_start3A_65 = tpu.memref_squeeze %dma_start3A_64 : memref<1x512x2048xf32, #tpu.memory_space<vmem>> -> memref<512x2048xf32, #tpu.memory_space<vmem>>
      %dma_start3A_66 = arith.constant 1536 : i32
      %dma_start3A_67 = arith.constant 0 : i32
      %dma_start3A_68 = tpu.memref_slice %arg1[%dma_start3A_66, %dma_start3A_67] : memref<16384x2048xf32, #tpu.memory_space<hbm>> -> memref<512x2048xf32, #tpu.memory_space<hbm>>
      tpu.enqueue_dma source(%dma_start3A_68 : memref<512x2048xf32, #tpu.memory_space<hbm>>) target(%dma_start3A_65 : memref<512x2048xf32, #tpu.memory_space<vmem>>) target_semaphore(%dma_start3A_61 : memref<!tpu.dma_semaphore, #tpu.memory_space<semaphore_mem>>)
      %dma_start3A_69 = arith.constant 4 : i32
      %dma_start3A_70 = arith.constant 4 : i32
      %dma_start3A_71 = tpu.memref_slice %arg5[%dma_start3A_70] : memref<6x!tpu.dma_semaphore, #tpu.memory_space<semaphore_mem>> -> memref<1x!tpu.dma_semaphore, #tpu.memory_space<semaphore_mem>>
      %dma_start3A_72 = tpu.memref_squeeze %dma_start3A_71 : memref<1x!tpu.dma_semaphore, #tpu.memory_space<semaphore_mem>> -> memref<!tpu.dma_semaphore, #tpu.memory_space<semaphore_mem>>
      %dma_start3A_73 = arith.constant 0 : i32
      %dma_start3A_74 = arith.constant 0 : i32
      %dma_start3A_75 = tpu.memref_slice %arg4[%dma_start3A_69, %dma_start3A_73, %dma_start3A_74] : memref<6x512x2048xf32, #tpu.memory_space<vmem>> -> memref<1x512x2048xf32, #tpu.memory_space<vmem>>
      %dma_start3A_76 = tpu.memref_squeeze %dma_start3A_75 : memref<1x512x2048xf32, #tpu.memory_space<vmem>> -> memref<512x2048xf32, #tpu.memory_space<vmem>>
      %dma_start3A_77 = arith.constant 2048 : i32
      %dma_start3A_78 = arith.constant 0 : i32
      %dma_start3A_79 = tpu.memref_slice %arg1[%dma_start3A_77, %dma_start3A_78] : memref<16384x2048xf32, #tpu.memory_space<hbm>> -> memref<512x2048xf32, #tpu.memory_space<hbm>>
      tpu.enqueue_dma source(%dma_start3A_79 : memref<512x2048xf32, #tpu.memory_space<hbm>>) target(%dma_start3A_76 : memref<512x2048xf32, #tpu.memory_space<vmem>>) target_semaphore(%dma_start3A_72 : memref<!tpu.dma_semaphore, #tpu.memory_space<semaphore_mem>>)
      %dma_start3A_80 = arith.constant 5 : i32
      %dma_start3A_81 = arith.constant 5 : i32
      %dma_start3A_82 = tpu.memref_slice %arg5[%dma_start3A_81] : memref<6x!tpu.dma_semaphore, #tpu.memory_space<semaphore_mem>> -> memref<1x!tpu.dma_semaphore, #tpu.memory_space<semaphore_mem>>
      %dma_start3A_83 = tpu.memref_squeeze %dma_start3A_82 : memref<1x!tpu.dma_semaphore, #tpu.memory_space<semaphore_mem>> -> memref<!tpu.dma_semaphore, #tpu.memory_space<semaphore_mem>>
      %dma_start3A_84 = arith.constant 0 : i32
      %dma_start3A_85 = arith.constant 0 : i32
      %dma_start3A_86 = tpu.memref_slice %arg4[%dma_start3A_80, %dma_start3A_84, %dma_start3A_85] : memref<6x512x2048xf32, #tpu.memory_space<vmem>> -> memref<1x512x2048xf32, #tpu.memory_space<vmem>>
      %dma_start3A_87 = tpu.memref_squeeze %dma_start3A_86 : memref<1x512x2048xf32, #tpu.memory_space<vmem>> -> memref<512x2048xf32, #tpu.memory_space<vmem>>
      %dma_start3A_88 = arith.constant 2560 : i32
      %dma_start3A_89 = arith.constant 0 : i32
      %dma_start3A_90 = tpu.memref_slice %arg1[%dma_start3A_88, %dma_start3A_89] : memref<16384x2048xf32, #tpu.memory_space<hbm>> -> memref<512x2048xf32, #tpu.memory_space<hbm>>
      tpu.enqueue_dma source(%dma_start3A_90 : memref<512x2048xf32, #tpu.memory_space<hbm>>) target(%dma_start3A_87 : memref<512x2048xf32, #tpu.memory_space<vmem>>) target_semaphore(%dma_start3A_83 : memref<!tpu.dma_semaphore, #tpu.memory_space<semaphore_mem>>)
    } else {
    }
    %rem3A = arith.constant 6 : i32
    %rem3A_2 = arith.remsi %arg0, %rem3A : i32
    %mul3A = arith.constant 512 : i32
    %mul3A_3 = arith.muli %arg0, %mul3A : i32
    %dma_wait3A = tpu.memref_slice %arg5[%rem3A_2] : memref<6x!tpu.dma_semaphore, #tpu.memory_space<semaphore_mem>> -> memref<1x!tpu.dma_semaphore, #tpu.memory_space<semaphore_mem>>
    %dma_wait3A_4 = tpu.memref_squeeze %dma_wait3A : memref<1x!tpu.dma_semaphore, #tpu.memory_space<semaphore_mem>> -> memref<!tpu.dma_semaphore, #tpu.memory_space<semaphore_mem>>
    %dma_wait3A_5 = arith.constant 0 : i32
    %dma_wait3A_6 = arith.constant 0 : i32
    %dma_wait3A_7 = tpu.memref_slice %arg4[%rem3A_2, %dma_wait3A_5, %dma_wait3A_6] : memref<6x512x2048xf32, #tpu.memory_space<vmem>> -> memref<1x512x2048xf32, #tpu.memory_space<vmem>>
    %dma_wait3A_8 = tpu.memref_squeeze %dma_wait3A_7 : memref<1x512x2048xf32, #tpu.memory_space<vmem>> -> memref<512x2048xf32, #tpu.memory_space<vmem>>
    %dma_wait3A_9 = arith.constant 0 : i32
    %dma_wait3A_10 = tpu.memref_slice %arg1[%mul3A_3, %dma_wait3A_9] : memref<16384x2048xf32, #tpu.memory_space<hbm>> -> memref<512x2048xf32, #tpu.memory_space<hbm>>
    tpu.wait_dma2 semaphore(%dma_wait3A_4 : memref<!tpu.dma_semaphore, #tpu.memory_space<semaphore_mem>>) src(%dma_wait3A_10 : memref<512x2048xf32, #tpu.memory_space<hbm>>) dst(%dma_wait3A_8 : memref<512x2048xf32, #tpu.memory_space<vmem>>)
    %get3A = arith.constant 0 : index
    %get3A_11 = arith.constant 0 : index
    %get3A_12 = vector.load %arg2[%get3A, %get3A_11] : memref<16x2048xf32, #tpu.memory_space<vmem>>, vector<16x2048xf32>
    %get3A_13 = arith.index_cast %rem3A_2 : i32 to index
    %get3A_14 = arith.constant 0 : index
    %get3A_15 = arith.constant 0 : index
    %get3A_16 = vector.load %arg4[%get3A_13, %get3A_14, %get3A_15] : memref<6x512x2048xf32, #tpu.memory_space<vmem>>, vector<1x512x2048xf32>
    %get3A_17 = vector.shape_cast %get3A_16 : vector<1x512x2048xf32> to vector<512x2048xf32>
    %dot_general3A = arith.constant dense<0.000000e+00> : vector<16x512xf32>
    %dot_general3A_18 = tpu.matmul %get3A_12, %get3A_17, %dot_general3A {dimension_numbers = #tpu.dot_dimension_numbers<[1], [1], [0], [0], [0, 0, 1, 0], [], []>, transpose_lhs_hint = false} : vector<16x2048xf32>, vector<512x2048xf32>, vector<16x512xf32> -> vector<16x512xf32>
    %swap3A = arith.constant 0 : index
    %swap3A_19 = arith.constant 0 : index
    %swap3A_20 = vector.load %arg3[%swap3A, %swap3A_19] : memref<16x512xf32, #tpu.memory_space<vmem>>, vector<16x512xf32>
    tpu.vector_store %arg3[%swap3A, %swap3A_19], %dot_general3A_18 {strides = array<i32>} : memref<16x512xf32, #tpu.memory_space<vmem>>, vector<16x512xf32>,
    %add3A = arith.constant 6 : i32
    %add3A_21 = arith.addi %arg0, %add3A : i32
    %lt3A = arith.constant 32 : i32
    %lt3A_22 = arith.cmpi slt, %add3A_21, %lt3A : i32
    %convert_element_type3A_23 = arith.extui %lt3A_22 : i1 to i32
    %cond3A_24 = arith.constant 0 : i32
    %cond3A_25 = arith.cmpi ne, %convert_element_type3A_23, %cond3A_24 : i32
    scf.if %cond3A_25 {
      %add3A_26 = arith.constant 6 : i32
      %add3A_27 = arith.addi %arg0, %add3A_26 : i32
      %mul3A_28 = arith.constant 512 : i32
      %mul3A_29 = arith.muli %add3A_27, %mul3A_28 : i32
      %dma_start3A = tpu.memref_slice %arg5[%rem3A_2] : memref<6x!tpu.dma_semaphore, #tpu.memory_space<semaphore_mem>> -> memref<1x!tpu.dma_semaphore, #tpu.memory_space<semaphore_mem>>
      %dma_start3A_30 = tpu.memref_squeeze %dma_start3A : memref<1x!tpu.dma_semaphore, #tpu.memory_space<semaphore_mem>> -> memref<!tpu.dma_semaphore, #tpu.memory_space<semaphore_mem>>
      %dma_start3A_31 = arith.constant 0 : i32
      %dma_start3A_32 = arith.constant 0 : i32
      %dma_start3A_33 = tpu.memref_slice %arg4[%rem3A_2, %dma_start3A_31, %dma_start3A_32] : memref<6x512x2048xf32, #tpu.memory_space<vmem>> -> memref<1x512x2048xf32, #tpu.memory_space<vmem>>
      %dma_start3A_34 = tpu.memref_squeeze %dma_start3A_33 : memref<1x512x2048xf32, #tpu.memory_space<vmem>> -> memref<512x2048xf32, #tpu.memory_space<vmem>>
      %dma_start3A_35 = arith.constant 0 : i32
      %dma_start3A_36 = tpu.memref_slice %arg1[%mul3A_29, %dma_start3A_35] : memref<16384x2048xf32, #tpu.memory_space<hbm>> -> memref<512x2048xf32, #tpu.memory_space<hbm>>
      tpu.enqueue_dma source(%dma_start3A_36 : memref<512x2048xf32, #tpu.memory_space<hbm>>) target(%dma_start3A_34 : memref<512x2048xf32, #tpu.memory_space<vmem>>) target_semaphore(%dma_start3A_30 : memref<!tpu.dma_semaphore, #tpu.memory_space<semaphore_mem>>)
    } else {
    }
    return
  }
  func.func @transform_1(%arg0: i32) -> (i32, i32) {
    %c0_i32 = arith.constant 0 : i32
    %c0_i32_0 = arith.constant 0 : i32
    %c0_i32_1 = arith.constant 0 : i32
    return %c0_i32, %c0_i32_0 : i32, i32
  }
  func.func @transform_2(%arg0: i32) -> (i32, i32) {
    %c0_i32 = arith.constant 0 : i32
    %c0_i32_0 = arith.constant 0 : i32
    return %c0_i32, %arg0 : i32, i32
  }
}

module attributes {stable_mosaic.version = 14 : i64} {
  func.func @_loss_block(%arg0: memref<32x16x16xf32, #tpu.memory_space<vmem>>, %arg1: memref<1x1xf32, #tpu.memory_space<vmem>>) attributes {dimension_semantics = [], scalar_prefetch = 0 : i64, scratch_operands = 0 : i64, tpu.core_type = #tpu.core_type<tc>} {
    %get3A = arith.constant 0 : index
    %get3A_0 = arith.constant 0 : index
    %get3A_1 = arith.constant 0 : index
    %get3A_2 = vector.load %arg0[%get3A, %get3A_0, %get3A_1] : memref<32x16x16xf32, #tpu.memory_space<vmem>>, vector<32x16x16xf32>
    %reduce_sum3A = arith.constant dense<0.000000e+00> : vector<16xf32>
    %reduce_sum3A_3 = vector.multi_reduction <add>, %get3A_2, %reduce_sum3A [0, 2] : vector<32x16x16xf32> to vector<16xf32>
    %div3A = arith.constant 1.638400e+04 : f32
    %div3A_4 = vector.broadcast %div3A : f32 to vector<16xf32>
    %div3A_5 = arith.divf %reduce_sum3A_3, %div3A_4 : vector<16xf32>
    %log3A = arith.constant 6.250000e-02 : f32
    %log3A_6 = math.log %log3A : f32
    %log3A_7 = math.log %div3A_5 : vector<16xf32>
    %sub3A = vector.broadcast %log3A_6 : f32 to vector<16xf32>
    %sub3A_8 = arith.subf %sub3A, %log3A_7 : vector<16xf32>
    %mul3A = arith.constant 6.250000e-02 : f32
    %mul3A_9 = vector.broadcast %mul3A : f32 to vector<16xf32>
    %mul3A_10 = arith.mulf %mul3A_9, %sub3A_8 : vector<16xf32>
    %reduce_sum3A_11 = vector.shape_cast %mul3A_10 : vector<16xf32> to vector<1x16xf32>
    %reduce_sum3A_12 = arith.constant dense<0.000000e+00> : vector<1xf32>
    %reduce_sum3A_13 = vector.multi_reduction <add>, %reduce_sum3A_11, %reduce_sum3A_12 [1] : vector<1x16xf32> to vector<1xf32>
    %reduce_sum3A_14 = vector.shape_cast %reduce_sum3A_13 : vector<1xf32> to vector<1x1xf32>
    %reduce_sum3A_15 = vector.extract %reduce_sum3A_14[0, 0] : f32 from vector<1x1xf32>
    %broadcast_in_dim3A = vector.broadcast %reduce_sum3A_15 : f32 to vector<1x1xf32>
    %swap3A = arith.constant 0 : index
    %swap3A_16 = arith.constant 0 : index
    %swap3A_17 = vector.load %arg1[%swap3A, %swap3A_16] : memref<1x1xf32, #tpu.memory_space<vmem>>, vector<1x1xf32>
    tpu.vector_store %arg1[%swap3A, %swap3A_16], %broadcast_in_dim3A {strides = array<i32>} : memref<1x1xf32, #tpu.memory_space<vmem>>, vector<1x1xf32>,
    return
  }
}

</mosaic_0001>

<sc_bundles>
// kernel: _router.5.cloned.1.call-start
scs
__scs_entry_jumppad:
0x0: {  	(pc) =	sbr.rel $0x88, $3  }
0x1: {  	(tag) =	ssettag $0x0;
	lr =	simm.s32 $0x1  }
0x2: {  	[smem:$0x3F9F] =	sst lr;
	_ =	strace $0xD0000000  }
0x3: {  	_ = 	snop  }
0x4: {  	_ = 	snop  }
0x5: {  	_ = 	snop  }
0x6: {  	_ = 	snop  }
0x7: {  	_ = 	snop  }
__scs_overlays_trampoline_lowered:
0x8: {  	[smem:$0x3FAE] =	sst s0  }
0x9: {  	[smem:$0x3FAF] =	sst s1  }
0xa: {  	[smem:$0x3FB0] =	sst s2  }
0xb: {  	[smem:$0x3FB1] =	sst s3  }
0xc: {  	[smem:$0x3FB2] =	sst s4  }
0xd: {  	[smem:$0x3FB3] =	sst s5  }
0xe: {  	[smem:$0x3FB4] =	sst s6  }
0xf: {  	[smem:$0x3FB5] =	sst s7  }
0x10: {  	[smem:$0x3FB6] =	sst s8  }
0x11: {  	[smem:$0x3FB7] =	sst s9;
	s0 =	simm.s32 @!p0 $0x0  }
0x12: {  	s1 =	sld [smem:$0x3F9D];
	s0 =	simm.s32 @p0 $0x1  }
0x13: {  	[smem:$0x3FB8] =	sst s0;
	s0 =	simm.s32 @!p1 $0x0  }
0x14: {  	s2 =	sld [smem:$0x3F9C];
	s0 =	simm.s32 @p1 $0x1  }
0x15: {  	[smem:$0x3FB9] =	sst s0;
	s0 =	simm.s32 @!p2 $0x0  }
0x16: {  	s3 =	sld [smem:$0x3FDB];
	s0 =	simm.s32 @p2 $0x1  }
0x17: {  	s4 =	simm.s32 $0x1BF5;
	[smem:$0x3FBB] =	sst s0  }
0x18: {  	s0 =	sld [smem:$0x3F9E];
	_ =	swait.ge [sflag:s4], $0x0  }
0x19: {  	s7 =	sld [smem:$0x3F9F]  }
0x1a: {  	s8 =	sadd.s32 $0xFFFFE003, lr  }
0x1b: {  	s9 =	sadd.s32 $0xFFFFFEF7, lr;
	s5 =	simm.s32 $0xFFFFFFFF;
	p2 =	slt.u32 s8, $0xFFFFF086  }
0x1c: {  	p1 =	slt.u32 s9, $0xF7A;
	s5 =	simm.s32 @!p2 $0x0  }
0x1d: {  	s5 =	simm.s32 @p1 $0x1;
	p0 =	seq.s32 s7, s2  }
0x1e: {  	s7 =	smul.u32 @!p0 $0xF7A, s2;
	p2 =	seq.s32 @!p0 s5, $0x0  }
0x1f: {  	s9 =	smul.u32 $0xF7A, s1;
	s8 =	simm.s32 @!p0 $0x1BF5;
	p2 =	por !p2, p0  }
0x20: {  	[sflag:s8] =	ssyncset.s32 @!p0 $0xFFFFF086;
	s6 =	sadd.s32 @!p0 s3, s7;
	s7 =	simm.s32 @!p0 $0x108  }
0x21: {  	s3 =	sadd.s32 s3, s9;
	s6 =	sadd.s32 @!p0 $0x88, s6;
	s7 =	simm.s32 @p2 $0x1082  }
0x22: {  	[simem:s7], [sflag:s8] =	dma.local @!p0 [hbm:s6], $0xF7A  }
0x23: {  	s9 =	sor.u32 $0xD0000000, s2;
	s6 =	simm.s32 $0x108;
	_ =	swait.ge @!p0 [sflag:s8], $0x0  }
0x24: {  	s3 =	sadd.s32 $0x88, s3;
	s6 =	simm.s32 @!p1 $0x1082;
	[sflag:s4] =	ssyncset.s32 $0xFFFFF086  }
0x25: {  	[simem:s6], [sflag:s4] =	dma.local [hbm:s3], $0xF7A  }
0x26: {  	[smem:$0x3F9F] =	sst s1;
	(tag) =	ssettag s2;
	_ =	strace s9  }
0x27: {  	s1 =	sld [smem:$0x3FAF]  }
0x28: {  	s2 =	sld [smem:$0x3FB0]  }
0x29: {  	s4 =	sld [smem:$0x3FB2]  }
0x2a: {  	p0 =	seq.s32 s5, $0x0;
	s5 =	sld [smem:$0x3FB3]  }
0x2b: {  	s6 =	sld [smem:$0x3FB4]  }
0x2c: {  	s7 =	sld [smem:$0x3FB5]  }
0x2d: {  	s3 =	simm.s32 $0x108;
	s8 =	sld [smem:$0x3FB6]  }
0x2e: {  	s3 =	simm.s32 @!p0 $0x1082;
	s9 =	sld [smem:$0x3FB7]  }
0x2f: {  	lr =	sadd.s32 s0, s3;
	s0 =	sld [smem:$0x3FAE]  }
0x30: {  	s3 =	sld [smem:$0x3FB1]  }
0x31: {  	[smem:$0x3FBA] =	sst s10  }
0x32: {  	s10 =	sld [smem:$0x3FB8];
	_ =	sdelay $0x3  }
0x33: {  	p0 =	seq.s32 s10, $0x1;
	s10 =	sld [smem:$0x3FBA];
	_ =	sdelay $0x3  }
0x34: {  	[smem:$0x3FBA] =	sst s10  }
0x35: {  	s10 =	sld [smem:$0x3FB9];
	_ =	sdelay $0x3  }
0x36: {  	p1 =	seq.s32 s10, $0x1;
	s10 =	sld [smem:$0x3FBA];
	_ =	sdelay $0x3  }
0x37: {  	[smem:$0x3FBA] =	sst s10  }
0x38: {  	s10 =	sld [smem:$0x3FBB]  }
0x39: {  	_ = 	snop;
	(pc) =	sbr.ind lr, $3  }
0x3a: {  	_ = 	snop  }
0x3b: {  	_ = 	snop  }
0x3c: {  	p2 =	seq.s32 s10, $0x1;
	s10 =	sld [smem:$0x3FBA]  }
0x3d: {  	_ =	shalt  }
0x3e: {  	_ =	shalt  }
0x3f: {  	_ =	shalt  }
0x40: {  	_ =	shalt  }
0x41: {  	_ =	shalt  }
0x42: {  	_ =	shalt  }
0x43: {  	_ =	shalt  }
0x44: {  	_ =	shalt  }
0x45: {  	_ =	shalt  }
0x46: {  	_ =	shalt  }
0x47: {  	_ =	shalt  }
0x48: {  	_ =	shalt  }
0x49: {  	_ =	shalt  }
0x4a: {  	_ =	shalt  }
0x4b: {  	_ =	shalt  }
0x4c: {  	_ =	shalt  }
0x4d: {  	_ =	shalt  }
0x4e: {  	_ =	shalt  }
0x4f: {  	_ =	shalt  }
0x50: {  	_ =	shalt  }
0x51: {  	_ =	shalt  }
0x52: {  	_ =	shalt  }
0x53: {  	_ =	shalt  }
0x54: {  	_ =	shalt  }
0x55: {  	_ =	shalt  }
0x56: {  	_ =	shalt  }
0x57: {  	_ =	shalt  }
0x58: {  	_ =	shalt  }
0x59: {  	_ =	shalt  }
0x5a: {  	_ =	shalt  }
0x5b: {  	_ =	shalt  }
0x5c: {  	_ =	shalt  }
0x5d: {  	_ =	shalt  }
0x5e: {  	_ =	shalt  }
0x5f: {  	_ =	shalt  }
0x60: {  	_ =	shalt  }
0x61: {  	_ =	shalt  }
0x62: {  	_ =	shalt  }
0x63: {  	_ =	shalt  }
0x64: {  	_ =	shalt  }
0x65: {  	_ =	shalt  }
0x66: {  	_ =	shalt  }
0x67: {  	_ =	shalt  }
0x68: {  	_ =	shalt  }
0x69: {  	_ =	shalt  }
0x6a: {  	_ =	shalt  }
0x6b: {  	_ =	shalt  }
0x6c: {  	_ =	shalt  }
0x6d: {  	_ =	shalt  }
0x6e: {  	_ =	shalt  }
0x6f: {  	_ =	shalt  }
0x70: {  	_ =	shalt  }
0x71: {  	_ =	shalt  }
0x72: {  	_ =	shalt  }
0x73: {  	_ =	shalt  }
0x74: {  	_ =	shalt  }
0x75: {  	_ =	shalt  }
0x76: {  	_ =	shalt  }
0x77: {  	_ =	shalt  }
0x78: {  	_ =	shalt  }
0x79: {  	_ =	shalt  }
0x7a: {  	_ =	shalt  }
0x7b: {  	_ =	shalt  }
0x7c: {  	_ =	shalt  }
0x7d: {  	_ =	shalt  }
0x7e: {  	_ =	shalt  }
0x7f: {  	_ =	shalt  }
0x80: {  	_ =	shalt  }
0x81: {  	_ =	shalt  }
0x82: {  	_ =	shalt  }
0x83: {  	_ =	shalt  }
0x84: {  	_ =	shalt  }
0x85: {  	_ =	shalt  }
0x86: {  	_ =	shalt  }
0x87: {  	_ =	shalt  }
.Lfunc_end0:
.L_simem_size_0:
called_computation_lowered:
.L_overlay_start_0:
0x88: {  	s2 =	sld [smem:$0x3FD9]  }
0x89: {  	s3 =	sld [smem:$0x3FFE];
	_ =	sdelay $0x1  }
0x8a: {  	s1 =	srdreg.scid  }
0x8b: {  	s0 =	sand.u32 $0x1, s1  }
0x8c: {  	s14 =	sshll.u32 s0, $0xA;
	s2 =	sadd.s32 s3, s2  }
0x8d: {  	s2 =	sadd.s32 s2, s14  }
0x8e: {  	[smem:$0x3FC6] =	sst s2  }
0x8f: {  	_ = 	snop  }
0x90: {  	s2 =	sld [smem:$0x3FD0];
	_ =	sdelay $0x2  }
0x91: {  	s15 =	simm.s32 $0xA;
	s4 =	simm.s32 $0x10  }
0x92: {  	[smem:s4], [sflag:s15] =	dma.local [hbm:s2], $0x1  }
0x93: {  	_ =	swait.eq [sflag:s15], $0x1  }
0x94: {  	[sflag:s15] =	ssyncset.done $0x0  }
0x95: {  	s16 =	sld [smem:$0x10];
	[sflag:s15] =	ssyncadd.s32 $0xFFFFFFFF  }
0x96: {  	s17 =	sld [smem:$0x11];
	(tm) =	ssettm $0x1  }
0x97: {  	s18 =	sld [smem:$0x3FFB];
	_ =	sdelay $0x3  }
0x98: {  	_ =	strace s18  }
0x99: {  	s4 =	sld [smem:$0x3FFC];
	_ =	sdelay $0x3  }
0x9a: {  	_ =	strace s4  }
0x9b: {  	s4 =	sld [smem:$0x3FFD];
	_ =	sdelay $0x3  }
0x9c: {  	_ =	strace s4  }
0x9d: {  	_ =	strace $0x8FFFFFFF  }
0x9e: {  	s19 =	sld [smem:$0x3FDB];
	_ =	sdelay $0x1  }
0x9f: {  	s5 =	simm.s32 $_scs_section_size  }
0xa0: {  	s6 =	simm.s32 $_size__tile_overlayer_lowered;
	s7 =	simm.s32 $_tile_overlayer_lowered  }
0xa1: {  	s22 =	simm.s32 $0x1BFF;
	s21 =	sshll.u32 s7, $0x1;
	s4 =	sadd.s32 s5, s19  }
0xa2: {  	s8 =	simm.s32 $0x0;
	s20 =	sshll.u32 s6, $0x1;
	s6 =	sadd.s32 s21, s4  }
0xa3: {  	[timem:s8], [sflag:s22] =	dma.local [hbm:s6], s20  }
0xa4: {  	_ =	swait.ge [sflag:s22], s20  }
0xa5: {  	s5 =	ssub.s32 $0x0, s20;
	[sflag:s22] =	ssyncset.done $0x0  }
0xa6: {  	[sflag:s22] =	ssyncadd.s32 s5;
	_ =	sdelay $0x1  }
0xa7: {  	s23 =	simm.s32 $0x1B8B  }
0xa8: {  	_ =	swait.ge [sflag:s23], $0x1  }
0xa9: {  	[sflag:s23] =	ssyncset.done $0x0  }
0xaa: {  	s25 =	simm.s32 $0x1B8E;
	s24 =	sld [smem:$0x3FFE];
	[sflag:s23] =	ssyncadd.s32 $0xFFFFFFFF  }
0xab: {  	s26 =	simm.s32 $execute0_lowered;
	[smem:$0x3FD2] =	sst s25  }
0xac: {  	s6 =	sshll.u32 s26, $0x1;
	_ =	strace $0x80000046;
	[dreg:$0x1] =	wrdreg $0xFFFFFFFF  }
0xad: {  	s28 =	simm.s32 $_size_execute0_lowered;
	s4 =	sadd.s32 s4, s6;
	[dreg:$0x0] =	wrdreg $0x0  }
0xae: {  	s6 =	sshll.u32 s28, $0x1;
	[dreg:$0x2] =	wrdreg s4  }
0xaf: {  	[dreg:$0x3] =	wrdreg s6  }
0xb0: {  	[dreg:$0x4] =	wrdreg $0xC0  }
0xb1: {  	_ =	task [dreg:s8], $0x5FFFF  }
0xb2: {  	[dreg:$0x1] =	wrdreg $0xFFFFFFFF  }
0xb3: {  	[dreg:$0x0] =	wrdreg $0x60  }
0xb4: {  	[dreg:$0x2] =	wrdreg s24  }
0xb5: {  	[dreg:$0x3] =	wrdreg s16  }
0xb6: {  	[dreg:$0x4] =	wrdreg s17  }
0xb7: {  	[dreg:$0x5] =	wrdreg $0x9  }
0xb8: {  	_ =	task.clear_ibuf [dreg:s8], $0x6FFFF;
	_ =	strace $0x90000046  }
0xb9: {  	s29 =	simm.s32 $0x9;
	_ =	strace $0x80000048  }
0xba: {  	_ =	swait.ge [sflag:s29], $0x1  }
0xbb: {  	[sflag:s29] =	ssyncadd.s32 $0xFFFFFFFF  }
0xbc: {  	_ =	strace $0x90000048  }
0xbd: {  	_ =	sfence  }
0xbe: {  	s30 =	sld [smem:$0x0];
	_ =	sdelay $0x2  }
0xbf: {  	s31 =	sshll.u32 s1, $0xD;
	s1 =	sshrl.u32 s1, $0x2  }
0xc0: {  	s3 =	sand.u32 $0x4000, s31;
	s1 =	sadd.s32 s1, s30  }
0xc1: {  	s0 =	sor.u32 s3, s0;
	s1 =	sshll.u32 s1, $0x11  }
0xc2: {  	s0 =	sor.u32 s1, s0  }
0xc3: {  	s0 =	sadd.s32 $0x8F2B, s0  }
0xc4: {  	[sflag:s0] =	ssyncadd.remote.s32 $0x1  }
0xc5: {  	_ =	sfence.sel $0xFFFF  }
0xc6: {  	[dreg:$0x0] =	wrdreg $0xFFFFFFFF;
	(pc) =	sbr.abs _section_cstart, $3  }
0xc7: {  	[dreg:$0x1] =	wrdreg $0xFFFFFFFF  }
0xc8: {  	_ =	task.clear_ibuf [dreg:s8], $0x2FFFF;
	_ =	strace $0x9FFFFFFF  }
0xc9: {  	(tm) =	ssettm $0x7FFFFFFF  }
tec
execute0_lowered:
.L_overlay_start_1:
0x0: {  	(tag) =	ssettag $0x1  }
0x1: {  	s3 =	rddreg [dreg:$0x0]  }
0x2: {  	s4 =	rddreg [dreg:$0x1]  }
0x3: {  	s5 =	rddreg [dreg:$0x2]  }
0x4: {  	s0 =	rddreg [dreg:$0x3];
	s6 =	srdreg.scid  }
0x5: {  	s1 =	stileid.u32;
	s2 =	simm.s32 $0x0;
	s12 =	simm.s32 $0x4000  }
0x6: {  	s13 =	simm.s32 $0x4400;
	s6 =	sand.u32 $0x1, s6;
	s7 =	sshll.u32 s1, $0x1  }
0x7: {  	s14 =	simm.s32 $0x0;
	[smem:$0x7FF] =	sst s2;
	s7 =	sor.u32 s6, s7  }
0x8: {  	_ =	strace $0x80000047;
	s6 =	ssub.s32 $0x2, s6;
	s8 =	sshll.u32 s7, $0x9  }
0x9: {  	s10 =	sshll.u32 s7, $0x8;
	s11 =	sshrl.u32 s6, $0x1;
	s31 =	sshll.u32 s7, $0x7  }
0xa: {  	s9 =	sadd.s32 s8, s3;
	s10 =	sadd.s32 s10, s3;
	s11 =	ssub.s32 s6, s11  }
0xb: {  	s4 =	sadd.s32 s4, s8;
	s5 =	sadd.s32 s5, s31;
	s8 =	simm.s32 $0x1000  }
0xc: {  	s3 =	sadd.s32 $0xE00, s9;
	s6 =	sadd.s32 $0x8E00, s10;
	s7 =	smax.u32 s11, $0x1  }
0xd: {  	v0 =	vimm.s32 $0x0;
	s9 =	simm.s32 $0x20000;
	s10 =	simm.s32 $0x1;
	s11 =	simm.s32 $0x2000  }
.LBB2_1:
0xe: {  	[tilespmem:s2], [sflag:$0x1] =	stream.strided.gather [hbm4b:s3+s8], $0x2000, s9, s8, $0x38;
	[tilespmem:$0x4C00] =	vst v63  }
0xf: {  	_ =	swait.ge [sflag:s10], $0x2000  }
0x10: {  	s15 =	sand.u32 $0x70, s2;
	s19 =	sand.u32 $0x7FFFFC00, s2;
	[sflag:s10] =	ssyncset.done $0x0  }
0x11: {  	s16 =	sor.u32 s15, s19;
	[sflag:s10] =	ssyncadd.s32 $0xFFFFE000  }
0x12: {  	v1 =	vld [tilespmem:s16+$0x80]  }
0x13: {  	v2 =	vld [tilespmem:s16+$0x0];
	_ =	sdelay $0x2  }
0x14: {  	s17 =	sand.u32 $0xFFFFFC00, s2;
	v3 =	vld [tilespmem:s16+$0x100]  }
0x15: {  	s21 =	sadd.s32 $0x0, s17;
	vm0 =	vlt.f32 v1, $-Inf;
	vm1 =	vgt.f32 v1, $-Inf  }
0x16: {  	s17 =	sor.u32 $0x180, s21;
	vm13 =	vgt.f32 v1, v2;
	vm9 =	vmor vm1, vm0  }
0x17: {  	v4 =	vld [tilespmem:s17+$0x0];
	vm0 =	vmneg vm13;
	v5 =	vnsel vm9, $0xFF800000, v1  }
0x18: {  	v5 =	vsel vm0, v5, v2  }
0x19: {  	v1 =	vsel vm0, v2, v1;
	vm5 =	vgt.f32 v3, v5  }
0x1a: {  	v2 =	vld [tilespmem:s16+$0x200];
	vm14 =	vgt.f32 v3, v1;
	v5 =	vsel vm5, v3, v5  }
0x1b: {  	v5 =	vsel vm14, v1, v5  }
0x1c: {  	v1 =	vsel vm14, v3, v1;
	vm15 =	vgt.f32 v4, v5  }
0x1d: {  	v3 =	vld [tilespmem:s16+$0x280];
	vm10 =	vgt.f32 v4, v1;
	v5 =	vsel vm15, v4, v5  }
0x1e: {  	v5 =	vsel vm10, v1, v5  }
0x1f: {  	v1 =	vsel vm10, v4, v1;
	vm11 =	vgt.f32 v2, v5  }
0x20: {  	vm1 =	vgt.f32 v2, v1;
	v4 =	vsel vm11, v2, v5;
	v5 =	vld [tilespmem:s16+$0x300]  }
0x21: {  	v4 =	vsel vm1, v1, v4  }
0x22: {  	s18 =	sor.u32 $0x380, s21;
	v1 =	vsel vm1, v2, v1;
	vm12 =	vgt.f32 v3, v4  }
0x23: {  	v2 =	vld [tilespmem:s18+$0x0];
	vm3 =	vgt.f32 v3, v1;
	v4 =	vsel vm12, v3, v4  }
0x24: {  	v4 =	vsel vm3, v1, v4  }
0x25: {  	s20 =	sor.u32 $0x1000, s16;
	v1 =	vsel vm3, v3, v1;
	vm7 =	vgt.f32 v5, v4  }
0x26: {  	v3 =	vld [tilespmem:s20+$0x0];
	vm2 =	vgt.f32 v5, v1;
	v4 =	vsel vm7, v5, v4  }
0x27: {  	v4 =	vsel vm2, v1, v4  }
0x28: {  	v1 =	vsel vm2, v5, v1;
	v5 =	vimm.s32 $0x0;
	vm6 =	vgt.f32 v2, v4  }
0x29: {  	s28 =	sor.u32 $0x1080, s16;
	vm4 =	vgt.f32 v2, v1;
	v5 =	vsel vm6, $0xFFFFFFFF, v5;
	v4 =	vsel vm6, v2, v4  }
0x2a: {  	[tilespmem:$0x1FF10] =	vst v5;
	v5 =	vld [tilespmem:s28+$0x0];
	v4 =	vsel vm4, v1, v4  }
0x2b: {  	v1 =	vsel vm4, v2, v1;
	v2 =	vimm.s32 $0x0;
	vm6 =	vgt.f32 v3, v4  }
0x2c: {  	s29 =	sor.u32 $0x1100, s16;
	v2 =	vsel vm6, $0xFFFFFFFF, v2  }
0x2d: {  	[tilespmem:$0x1FF20] =	vst v2;
	v2 =	vsel vm6, v3, v4;
	v4 =	vld [tilespmem:s29+$0x0];
	vm6 =	vgt.f32 v3, v1  }
0x2e: {  	v2 =	vsel vm6, v1, v2  }
0x2f: {  	s20 =	sor.u32 $0x1180, s21;
	v1 =	vsel vm6, v3, v1;
	vm8 =	vgt.f32 v5, v2  }
0x30: {  	vm0 =	vmand vm0, vm9;
	v3 =	vld [tilespmem:s20+$0x0];
	vm9 =	vgt.f32 v5, v1;
	v2 =	vsel vm8, v5, v2  }
0x31: {  	v7 =	vsel vm13, $0x1, v0;
	v2 =	vsel vm9, v1, v2  }
0x32: {  	s22 =	sor.u32 $0x1200, s16;
	v6 =	vsel vm0, $0x1, v0;
	v1 =	vsel vm9, v5, v1;
	vm13 =	vgt.f32 v4, v2  }
0x33: {  	v5 =	vsel vm5, $0x2, v6;
	v6 =	vld [tilespmem:s22+$0x0];
	vm0 =	vgt.f32 v4, v1;
	v2 =	vsel vm13, v4, v2  }
0x34: {  	v5 =	vsel vm14, v7, v5;
	v2 =	vsel vm0, v1, v2  }
0x35: {  	s30 =	sor.u32 $0x1280, s16;
	v7 =	vsel vm14, $0x2, v7;
	v1 =	vsel vm0, v4, v1;
	vm14 =	vgt.f32 v3, v2  }
0x36: {  	v4 =	vsel vm15, $0x3, v5;
	v5 =	vld [tilespmem:s30+$0x0];
	vm15 =	vgt.f32 v3, v1;
	v2 =	vsel vm14, v3, v2  }
0x37: {  	v4 =	vsel vm10, v7, v4;
	v2 =	vsel vm15, v1, v2  }
0x38: {  	s31 =	sor.u32 $0x1300, s16;
	v7 =	vsel vm10, $0x3, v7;
	v1 =	vsel vm15, v3, v1;
	vm5 =	vgt.f32 v6, v2  }
0x39: {  	v3 =	vsel vm11, $0x4, v4;
	v4 =	vld [tilespmem:s31+$0x0];
	vm10 =	vgt.f32 v6, v1;
	v2 =	vsel vm5, v6, v2  }
0x3a: {  	v3 =	vsel vm1, v7, v3;
	v2 =	vsel vm10, v1, v2  }
0x3b: {  	v3 =	vsel vm12, $0x5, v3;
	v1 =	vsel vm10, v6, v1;
	vm11 =	vgt.f32 v5, v2  }
0x3c: {  	v6 =	vsel vm1, $0x4, v7;
	vm1 =	vgt.f32 v5, v1;
	v2 =	vsel vm11, v5, v2  }
0x3d: {  	v3 =	vsel vm3, v6, v3;
	v2 =	vsel vm1, v1, v2  }
0x3e: {  	v6 =	vsel vm3, $0x5, v6;
	v1 =	vsel vm1, v5, v1;
	vm3 =	vgt.f32 v4, v2  }
0x3f: {  	v3 =	vsel vm7, $0x6, v3;
	vm7 =	vgt.f32 v4, v1;
	v2 =	vsel vm3, v4, v2  }
0x40: {  	v2 =	vsel vm7, v1, v2;
	v1 =	vsel vm7, v4, v1;
	v4 =	vld [tilespmem:$0x1FF10];
	_ =	sdelay $0x4  }
0x41: {  	s23 =	sor.u32 $0x1380, s21;
	v3 =	vsel vm2, v6, v3;
	v5 =	vsel vm2, $0x6, v6;
	vm2 =	vnez.u8 v4  }
0x42: {  	v7 =	vld [tilespmem:s23+$0x0];
	v3 =	vsel vm2, $0x7, v3  }
0x43: {  	v4 =	vsel vm4, $0x7, v5;
	v3 =	vsel vm4, v5, v3;
	v5 =	vld [tilespmem:$0x1FF20];
	_ =	sdelay $0x3  }
0x44: {  	vm12 =	vgt.f32 v7, v2  }
0x45: {  	v2 =	vsel vm12, v7, v2;
	vm2 =	vgt.f32 v7, v1;
	vm4 =	vnez.u8 v5  }
0x46: {  	v2 =	vsel vm2, v1, v2;
	v1 =	vsel vm2, v7, v1;
	v3 =	vsel vm4, $0x8, v3  }
0x47: {  	v1 =	vsub.f32 v2, v1;
	v2 =	vsel vm6, v4, v3  }
0x48: {  	v3 =	vsel vm6, $0x8, v4;
	v2 =	vsel vm8, $0x9, v2  }
0x49: {  	v1 =	vmul.f32 $1.442695020e+00, v1;
	v2 =	vsel vm9, v3, v2  }
0x4a: {  	v3 =	vsel vm9, $0x9, v3;
	v2 =	vsel vm13, $0xA, v2  }
0x4b: {  	(erf) = vpow2.f32 v1;
	v1 =	vsel vm0, v3, v2  }
0x4c: {  	v2 =	vsel vm0, $0xA, v3;
	v1 =	vsel vm14, $0xB, v1  }
0x4d: {  	v1 =	vsel vm15, v2, v1  }
0x4e: {  	v2 =	vsel vm15, $0xB, v2;
	v1 =	vsel vm5, $0xC, v1  }
0x4f: {  	v1 =	vsel vm10, v2, v1  }
0x50: {  	v2 =	vsel vm10, $0xC, v2;
	v1 =	vsel vm11, $0xD, v1  }
0x51: {  	v1 =	vsel vm1, v2, v1  }
0x52: {  	v2 =	vsel vm1, $0xD, v2;
	v1 =	vsel vm3, $0xE, v1  }
0x53: {  	v1 =	vsel vm7, v2, v1;
	v2 =	vsel vm7, $0xE, v2  }
0x54: {  	v4 =	vsel vm12, $0xF, v1;
	v18 =	vsel vm2, $0xF, v2  }
0x55: {  	v17 =	vsel vm2, v2, v4;
	vm0 =	veq.s32 v18, $0xB;
	v2 =	vimm.s32 $0x0  }
0x56: {  	v2 =	vsel vm0, $0xFFFFFFFF, v2  }
0x57: {  	vm0 =	veq.s32 v18, $0xC;
	[tilespmem:$0x1FF30] =	vst v2;
	v2 =	vimm.s32 $0x0  }
0x58: {  	v2 =	vsel vm0, $0xFFFFFFFF, v2  }
0x59: {  	vm0 =	veq.s32 v18, $0xD;
	[tilespmem:$0x1FF40] =	vst v2;
	v2 =	vimm.s32 $0x0  }
0x5a: {  	v2 =	vsel vm0, $0xFFFFFFFF, v2  }
0x5b: {  	vm0 =	veq.s32 v18, $0x9;
	[tilespmem:$0x1FF50] =	vst v2;
	v2 =	vimm.s32 $0x0  }
0x5c: {  	v11 =	vimm.f32 $0.0e+00;
	v2 =	vsel vm0, $0xFFFFFFFF, v2  }
0x5d: {  	v13 =	vimm.f32 $0.0e+00;
	vm0 =	veq.s32 v18, $0xA;
	[tilespmem:$0x1FF60] =	vst v2;
	v2 =	vimm.s32 $0x0  }
0x5e: {  	v12 =	vimm.f32 $0.0e+00;
	v9 =	vimm.f32 $0.0e+00;
	v2 =	vsel vm0, $0xFFFFFFFF, v2  }
0x5f: {  	v14 =	vimm.f32 $0.0e+00;
	vm0 =	veq.s32 v17, $0xF;
	[tilespmem:$0x1FF70] =	vst v2;
	v2 =	vimm.s32 $0x0  }
0x60: {  	v10 =	vimm.f32 $0.0e+00;
	v15 =	vimm.f32 $0.0e+00;
	v2 =	vsel vm0, $0xFFFFFFFF, v2  }
0x61: {  	v8 =	vimm.f32 $0.0e+00;
	vm0 =	veq.s32 v18, $0x7;
	[tilespmem:$0x1FF80] =	vst v2;
	v2 =	vimm.s32 $0x0  }
0x62: {  	v16 =	vimm.f32 $0.0e+00;
	v6 =	vimm.f32 $0.0e+00;
	v3 =	vpop (erf);
	v2 =	vsel vm0, $0xFFFFFFFF, v2  }
0x63: {  	v3 =	vadd.f32 $1.000000000e+00, v3;
	vm0 =	veq.s32 v18, $0x8;
	[tilespmem:$0x1FF90] =	vst v2;
	v2 =	vimm.s32 $0x0  }
0x64: {  	v7 =	vimm.f32 $0.0e+00;
	v5 =	vimm.f32 $0.0e+00;
	v2 =	vsel vm0, $0xFFFFFFFF, v2  }
0x65: {  	(erf) = vrcp.f32 v3;
	vm0 =	veq.s32 v17, $0xE;
	[tilespmem:$0x1FFA0] =	vst v2;
	v2 =	vimm.s32 $0x0  }
0x66: {  	v3 =	vimm.f32 $0.0e+00;
	v1 =	vimm.f32 $0.0e+00;
	v2 =	vsel vm0, $0xFFFFFFFF, v2  }
0x67: {  	vm14 =	veq.s32 v18, $0xE;
	vm0 =	veq.s32 v18, $0x6;
	[tilespmem:$0x1FFB0] =	vst v2;
	v2 =	vimm.s32 $0x0  }
0x68: {  	vm13 =	veq.s32 v18, $0xF;
	v4 =	vimm.f32 $0.0e+00;
	v2 =	vsel vm0, $0xFFFFFFFF, v2  }
0x69: {  	vm4 =	veq.s32 v18, $0x4;
	vm0 =	veq.s32 v17, $0xC;
	[tilespmem:$0x1FFC0] =	vst v2;
	v2 =	vimm.s32 $0x0  }
0x6a: {  	vm2 =	veq.s32 v18, $0x5;
	vm6 =	veq.s32 v18, $0x3;
	v2 =	vsel vm0, $0xFFFFFFFF, v2  }
0x6b: {  	vm15 =	veq.s32 v17, $0x9;
	vm0 =	veq.s32 v17, $0xD;
	[tilespmem:$0x1FFD0] =	vst v2;
	v2 =	vimm.s32 $0x0  }
0x6c: {  	vm1 =	veq.s32 v17, $0x8;
	vm5 =	veq.s32 v17, $0x6;
	v2 =	vsel vm0, $0xFFFFFFFF, v2  }
0x6d: {  	vm3 =	veq.s32 v17, $0x7;
	vm0 =	veq.s32 v17, $0xA;
	[tilespmem:$0x1FFE0] =	vst v2;
	v2 =	vimm.s32 $0x0  }
0x6e: {  	vm7 =	veq.s32 v17, $0x3;
	vm9 =	veq.s32 v17, $0x4;
	v2 =	vsel vm0, $0xFFFFFFFF, v2  }
0x6f: {  	s19 =	sshrl.u32 s19, $0x2;
	s21 =	simm.s32 $0x80;
	s22 =	simm.s32 $0x0;
	vm8 =	veq.s32 v17, $0x5;
	vm0 =	veq.s32 v17, $0xB;
	[tilespmem:$0x1FFF0] =	vst v2;
	v2 =	vimm.f32 $0.0e+00  }
.LBB2_2:
0x70: {  	v23 =	vimm.s32 $0x0;
	v21 =	vimm.s32 $0x0;
	vm10 =	veq.s32 v17, $0x1  }
0x71: {  	vm11 =	veq.s32 v18, $0x2;
	vm12 =	veq.s32 v17, $0x2;
	v22 =	vsel vm14, $0xFFFFFFFF, v23  }
0x72: {  	v19 =	vpop (erf);
	v20 =	vsel vm13, $0xFFFFFFFF, v21;
	vm13 =	veq.s32 v18, $0x0;
	vm14 =	veq.s32 v18, $0x1  }
0x73: {  	v52 =	vnsel vm11, $0x0, v19;
	v26 =	vnsel vm6, $0x0, v19;
	[tilespmem:$0x1FF00] =	vst v20;
	v20 =	vsub.f32 $1.000000000e+00, v19  }
0x74: {  	v33 =	vld [tilespmem:$0x1FFD0];
	v55 =	vnsel vm4, $0x0, v19;
	v49 =	vnsel vm13, $0x0, v19;
	vm13 =	veq.s32 v17, $0x0  }
0x75: {  	v34 =	vld [tilespmem:$0x1FFE0];
	v56 =	vnsel vm2, $0x0, v19;
	v50 =	vnsel vm14, $0x0, v19;
	v51 =	vnsel vm13, $0x0, v20  }
0x76: {  	v58 =	vld [tilespmem:$0x1FFC0];
	v24 =	vnsel vm10, $0x0, v20;
	v25 =	vnsel vm12, $0x0, v20;
	v21 =	vadd.f32 v51, v49  }
0x77: {  	v59 =	vld [tilespmem:$0x1FF90];
	[tilespmem:$0x1FEF0] =	vst v22;
	v53 =	vnsel vm9, $0x0, v20;
	v54 =	vnsel vm8, $0x0, v20;
	v23 =	vadd.f32 v25, v52  }
0x78: {  	v60 =	vld [tilespmem:$0x1FFB0];
	v27 =	vnsel vm7, $0x0, v20;
	v28 =	vnsel vm5, $0x0, v20;
	v22 =	vadd.f32 v24, v50;
	[tilespmem:s16+$0x2000] =	vst v21  }
0x79: {  	v61 =	vld [tilespmem:$0x1FFA0];
	v32 =	vnsel vm0, $0x0, v20;
	v26 =	vadd.f32 v27, v26;
	vm0 =	vnez.u8 v33;
	[tilespmem:s16+$0x2100] =	vst v23  }
0x7a: {  	v24 =	vadd.f32 v53, v55;
	v33 =	vnsel vm0, $0x0, v20;
	vm0 =	vnez.u8 v34;
	[tilespmem:s16+$0x2080] =	vst v22  }
0x7b: {  	v25 =	vadd.f32 v54, v56;
	v34 =	vnsel vm0, $0x0, v20;
	vm0 =	vnez.u8 v58;
	[tilespmem:s17+$0x2000] =	vst v26  }
0x7c: {  	v1 =	vadd.f32 v24, v1;
	[tilespmem:s16+$0x2200] =	vst v24;
	v24 =	vnsel vm0, $0x0, v19;
	vm0 =	vnez.u8 v59  }
0x7d: {  	v11 =	vadd.f32 v25, v11;
	[tilespmem:s16+$0x2280] =	vst v25;
	v25 =	vnsel vm0, $0x0, v19;
	vm0 =	vnez.u8 v60  }
0x7e: {  	v31 =	vld [tilespmem:$0x1FFF0];
	v24 =	vadd.f32 v28, v24;
	v28 =	vnsel vm0, $0x0, v20;
	vm0 =	vnez.u8 v61  }
0x7f: {  	v63 =	vld [tilespmem:$0x1FF60];
	v30 =	vnsel vm1, $0x0, v20;
	v13 =	vadd.f32 v26, v13;
	v26 =	vnsel vm0, $0x0, v19  }
0x80: {  	v62 =	vadd.f32 v30, v26;
	v30 =	vld [tilespmem:$0x1FF80]  }
0x81: {  	v35 =	vld [tilespmem:$0x1FF70]  }
0x82: {  	v36 =	vld [tilespmem:$0x1FF30]  }
0x83: {  	v38 =	vld [tilespmem:$0x1FF40];
	v29 =	vnsel vm3, $0x0, v20;
	v57 =	vnsel vm15, $0x0, v20;
	vm1 =	vnez.u8 v31  }
0x84: {  	v40 =	vld [tilespmem:$0x1FF50];
	v31 =	vnsel vm1, $0x0, v20;
	v14 =	vadd.f32 v21, v14;
	vm0 =	vnez.u8 v63  }
0x85: {  	v42 =	vld [tilespmem:$0x1FEF0];
	v25 =	vadd.f32 v29, v25;
	v26 =	vnsel vm0, $0x0, v19;
	vm0 =	vnez.u8 v30  }
0x86: {  	v44 =	vld [tilespmem:$0x1FF00];
	[tilespmem:s16+$0x2300] =	vst v24;
	v12 =	vadd.f32 v24, v12;
	v20 =	vnsel vm0, $0x0, v20;
	vm0 =	vnez.u8 v35  }
0x87: {  	[tilespmem:s18+$0x2000] =	vst v25;
	v29 =	vadd.f32 v57, v26;
	v21 =	vnsel vm0, $0x0, v19;
	vm0 =	vnez.u8 v36  }
0x88: {  	[tilespmem:s16+$0x3000] =	vst v62;
	v21 =	vadd.f32 v31, v21;
	v24 =	vnsel vm0, $0x0, v19;
	vm0 =	vnez.u8 v38  }
0x89: {  	[tilespmem:s16+$0x3080] =	vst v29;
	v37 =	vadd.f32 v32, v24;
	v24 =	vnsel vm0, $0x0, v19;
	vm0 =	vnez.u8 v40  }
0x8a: {  	[tilespmem:s16+$0x3100] =	vst v21;
	v39 =	vadd.f32 v33, v24;
	v24 =	vnsel vm0, $0x0, v19;
	vm0 =	vnez.u8 v42  }
0x8b: {  	[tilespmem:s20+$0x2000] =	vst v37;
	v41 =	vadd.f32 v34, v24;
	v24 =	vnsel vm0, $0x0, v19;
	vm0 =	vnez.u8 v44  }
0x8c: {  	[tilespmem:s16+$0x3200] =	vst v39;
	v43 =	vadd.f32 v28, v24;
	v19 =	vnsel vm0, $0x0, v19  }
0x8d: {  	[tilespmem:s16+$0x3280] =	vst v41;
	v19 =	vadd.f32 v20, v19  }
0x8e: {  	s22 =	sadd.s32 $0x10, s22;
	s24 =	smov.u32 s21;
	[tilespmem:s16+$0x3300] =	vst v43  }
0x8f: {  	s25 =	sand.u32 $0x70, s22;
	s31 =	sand.u32 $0x7FFFFC00, s24;
	[tilespmem:s23+$0x2000] =	vst v19;
	s23 =	sor.u32 s15, s19  }
0x90: {  	s26 =	sor.u32 s25, s31;
	[tilespmem:s23+$0x4000] =	vst v18  }
0x91: {  	s16 =	smov.u32 s26;
	[tilespmem:s23+$0x4080] =	vst v17  }
0x92: {  	v18 =	vld [tilespmem:s16+$0x80]  }
0x93: {  	v17 =	vld [tilespmem:s16+$0x0];
	_ =	sdelay $0x2  }
0x94: {  	s18 =	sand.u32 $0xFFFFFC00, s24;
	v2 =	vadd.f32 v19, v2;
	v19 =	vld [tilespmem:s16+$0x100]  }
0x95: {  	s24 =	sadd.s32 s18, s22;
	vm1 =	vlt.f32 v18, $-Inf;
	vm2 =	vgt.f32 v18, $-Inf  }
0x96: {  	s17 =	sor.u32 $0x180, s24;
	vm0 =	vgt.f32 v18, v17;
	vm1 =	vmor vm2, vm1  }
0x97: {  	v20 =	vld [tilespmem:s17+$0x0];
	vm2 =	vmneg vm0;
	v46 =	vnsel vm1, $0xFF800000, v18  }
0x98: {  	v15 =	vadd.f32 v22, v15;
	v49 =	vsel vm0, $0x1, v0;
	v22 =	vsel vm2, v46, v17  }
0x99: {  	vm1 =	vmand vm2, vm1;
	v17 =	vsel vm2, v17, v18;
	vm0 =	vgt.f32 v19, v22  }
0x9a: {  	v45 =	vld [tilespmem:s16+$0x200];
	v48 =	vsel vm1, $0x1, v0;
	vm1 =	vgt.f32 v19, v17;
	v22 =	vsel vm0, v19, v22  }
0x9b: {  	v9 =	vadd.f32 v25, v9;
	v24 =	vsel vm0, $0x2, v48;
	v22 =	vsel vm1, v17, v22  }
0x9c: {  	v25 =	vsel vm1, $0x2, v49;
	v17 =	vsel vm1, v19, v17;
	vm0 =	vgt.f32 v20, v22  }
0x9d: {  	v47 =	vld [tilespmem:s16+$0x280];
	v24 =	vsel vm1, v49, v24;
	vm1 =	vgt.f32 v20, v17;
	v22 =	vsel vm0, v20, v22  }
0x9e: {  	v19 =	vsel vm0, $0x3, v24;
	v22 =	vsel vm1, v17, v22  }
0x9f: {  	v19 =	vsel vm1, v25, v19;
	v17 =	vsel vm1, v20, v17;
	vm0 =	vgt.f32 v45, v22  }
0xa0: {  	v52 =	vld [tilespmem:s16+$0x300];
	v20 =	vsel vm1, $0x3, v25;
	vm1 =	vgt.f32 v45, v17;
	v22 =	vsel vm0, v45, v22  }
0xa1: {  	v19 =	vsel vm0, $0x4, v19;
	v22 =	vsel vm1, v17, v22  }
0xa2: {  	s18 =	sor.u32 $0x380, s24;
	v17 =	vsel vm1, v45, v17;
	v19 =	vsel vm1, v20, v19;
	vm2 =	vgt.f32 v47, v22  }
0xa3: {  	v18 =	vld [tilespmem:s18+$0x0];
	v20 =	vsel vm1, $0x4, v20;
	vm0 =	vgt.f32 v47, v17;
	v53 =	vsel vm2, v47, v22  }
0xa4: {  	v19 =	vsel vm2, $0x5, v19;
	v54 =	vsel vm0, v47, v17;
	v17 =	vsel vm0, v17, v53  }
0xa5: {  	s15 =	smov.u32 s25;
	s25 =	sor.u32 $0x1000, s16;
	v19 =	vsel vm0, v20, v19;
	v20 =	vsel vm0, $0x5, v20;
	vm0 =	vgt.f32 v52, v17  }
0xa6: {  	v50 =	vld [tilespmem:s25+$0x0];
	vm1 =	vgt.f32 v52, v54;
	v17 =	vsel vm0, v52, v17  }
0xa7: {  	v19 =	vsel vm0, $0x6, v19;
	v17 =	vsel vm1, v54, v17  }
0xa8: {  	s26 =	sor.u32 $0x1080, s16;
	v55 =	vsel vm1, v52, v54;
	v19 =	vsel vm1, v20, v19;
	vm0 =	vgt.f32 v18, v17  }
0xa9: {  	v51 =	vld [tilespmem:s26+$0x0];
	v20 =	vsel vm1, $0x6, v20;
	vm1 =	vgt.f32 v18, v55;
	v17 =	vsel vm0, v18, v17  }
0xaa: {  	s28 =	sshrl.u32 s31, $0x2;
	v19 =	vsel vm0, $0x7, v19;
	v17 =	vsel vm1, v55, v17  }
0xab: {  	s19 =	smov.u32 s28;
	s28 =	sor.u32 $0x1100, s16;
	v18 =	vsel vm1, v18, v55;
	v19 =	vsel vm1, v20, v19;
	vm0 =	vgt.f32 v50, v17  }
0xac: {  	v56 =	vld [tilespmem:s28+$0x0];
	v20 =	vsel vm1, $0x7, v20;
	vm1 =	vgt.f32 v50, v18;
	v17 =	vsel vm0, v50, v17  }
0xad: {  	v57 =	vsel vm1, $0x8, v20;
	v19 =	vsel vm0, $0x8, v19;
	v17 =	vsel vm1, v18, v17  }
0xae: {  	s20 =	sor.u32 $0x1180, s24;
	v18 =	vsel vm1, v50, v18;
	v19 =	vsel vm1, v20, v19;
	vm1 =	vgt.f32 v51, v17  }
0xaf: {  	v58 =	vld [tilespmem:s20+$0x0];
	vm0 =	vgt.f32 v51, v18;
	v17 =	vsel vm1, v51, v17  }
0xb0: {  	v19 =	vsel vm1, $0x9, v19;
	v20 =	vsel vm0, v51, v18;
	v17 =	vsel vm0, v18, v17  }
0xb1: {  	s29 =	sor.u32 $0x1200, s16;
	v19 =	vsel vm0, v57, v19;
	v18 =	vsel vm0, $0x9, v57;
	vm0 =	vgt.f32 v56, v17  }
0xb2: {  	v59 =	vld [tilespmem:s29+$0x0];
	vm1 =	vgt.f32 v56, v20;
	v17 =	vsel vm0, v56, v17  }
0xb3: {  	v19 =	vsel vm0, $0xA, v19;
	v17 =	vsel vm1, v20, v17  }
0xb4: {  	s30 =	sor.u32 $0x1280, s16;
	v19 =	vsel vm1, v18, v19;
	v20 =	vsel vm1, v56, v20;
	vm0 =	vgt.f32 v58, v17  }
0xb5: {  	v60 =	vld [tilespmem:s30+$0x0];
	v18 =	vsel vm1, $0xA, v18;
	vm1 =	vgt.f32 v58, v20;
	v17 =	vsel vm0, v58, v17  }
0xb6: {  	v19 =	vsel vm0, $0xB, v19;
	v17 =	vsel vm1, v20, v17  }
0xb7: {  	s31 =	sor.u32 $0x1300, s16;
	v19 =	vsel vm1, v18, v19;
	v20 =	vsel vm1, v58, v20;
	vm0 =	vgt.f32 v59, v17  }
0xb8: {  	v61 =	vld [tilespmem:s31+$0x0];
	v18 =	vsel vm1, $0xB, v18;
	vm1 =	vgt.f32 v59, v20;
	v17 =	vsel vm0, v59, v17  }
0xb9: {  	v10 =	vadd.f32 v62, v10;
	v19 =	vsel vm0, $0xC, v19;
	v17 =	vsel vm1, v20, v17  }
0xba: {  	s23 =	sor.u32 $0x1380, s24;
	v19 =	vsel vm1, v18, v19;
	v20 =	vsel vm1, v59, v20;
	vm0 =	vgt.f32 v60, v17  }
0xbb: {  	v62 =	vld [tilespmem:s23+$0x0];
	v18 =	vsel vm1, $0xC, v18;
	vm1 =	vgt.f32 v60, v20;
	v17 =	vsel vm0, v60, v17  }
0xbc: {  	v19 =	vsel vm0, $0xD, v19;
	v17 =	vsel vm1, v20, v17  }
0xbd: {  	v19 =	vsel vm1, v18, v19;
	v20 =	vsel vm1, v60, v20;
	vm0 =	vgt.f32 v61, v17  }
0xbe: {  	v18 =	vsel vm1, $0xD, v18;
	vm1 =	vgt.f32 v61, v20;
	v17 =	vsel vm0, v61, v17  }
0xbf: {  	v16 =	vadd.f32 v23, v16;
	v19 =	vsel vm0, $0xE, v19;
	v17 =	vsel vm1, v20, v17  }
0xc0: {  	v63 =	vsel vm1, $0xE, v18;
	v20 =	vsel vm1, v61, v20;
	vm0 =	vgt.f32 v62, v17  }
0xc1: {  	v19 =	vsel vm1, v18, v19;
	vm1 =	vgt.f32 v62, v20;
	v17 =	vsel vm0, v62, v17  }
0xc2: {  	v19 =	vsel vm0, $0xF, v19;
	v23 =	vsel vm1, v20, v17;
	v20 =	vsel vm1, v62, v20  }
0xc3: {  	v17 =	vsel vm1, v63, v19;
	v19 =	vsub.f32 v23, v20;
	_ =	sdelay $0x1  }
0xc4: {  	v19 =	vmul.f32 $1.442695020e+00, v19;
	_ =	sdelay $0x1  }
0xc5: {  	(erf) = vpow2.f32 v19;
	_ =	sdelay $0x8  }
0xc6: {  	v19 =	vpop (erf)  }
0xc7: {  	v19 =	vadd.f32 $1.000000000e+00, v19  }
0xc8: {  	v18 =	vsel vm1, $0xF, v63  }
0xc9: {  	vm0 =	veq.s32 v18, $0xB;
	(erf) = vrcp.f32 v19;
	v19 =	vimm.s32 $0x0  }
0xca: {  	v19 =	vsel vm0, $0xFFFFFFFF, v19  }
0xcb: {  	vm0 =	veq.s32 v18, $0xC;
	[tilespmem:$0x1FF30] =	vst v19;
	v19 =	vimm.s32 $0x0  }
0xcc: {  	v19 =	vsel vm0, $0xFFFFFFFF, v19  }
0xcd: {  	vm0 =	veq.s32 v18, $0xD;
	[tilespmem:$0x1FF40] =	vst v19;
	v19 =	vimm.s32 $0x0  }
0xce: {  	v19 =	vsel vm0, $0xFFFFFFFF, v19  }
0xcf: {  	vm0 =	veq.s32 v18, $0x9;
	[tilespmem:$0x1FF50] =	vst v19;
	v19 =	vimm.s32 $0x0  }
0xd0: {  	v19 =	vsel vm0, $0xFFFFFFFF, v19  }
0xd1: {  	vm0 =	veq.s32 v18, $0xA;
	[tilespmem:$0x1FF60] =	vst v19;
	v19 =	vimm.s32 $0x0  }
0xd2: {  	v19 =	vsel vm0, $0xFFFFFFFF, v19  }
0xd3: {  	vm0 =	veq.s32 v17, $0xF;
	[tilespmem:$0x1FF70] =	vst v19;
	v19 =	vimm.s32 $0x0  }
0xd4: {  	v19 =	vsel vm0, $0xFFFFFFFF, v19  }
0xd5: {  	vm0 =	veq.s32 v18, $0x7;
	[tilespmem:$0x1FF80] =	vst v19;
	v19 =	vimm.s32 $0x0  }
0xd6: {  	v19 =	vsel vm0, $0xFFFFFFFF, v19  }
0xd7: {  	vm0 =	veq.s32 v18, $0x8;
	[tilespmem:$0x1FF90] =	vst v19;
	v19 =	vimm.s32 $0x0  }
0xd8: {  	v7 =	vadd.f32 v29, v7;
	v19 =	vsel vm0, $0xFFFFFFFF, v19  }
0xd9: {  	v8 =	vadd.f32 v21, v8;
	vm0 =	veq.s32 v17, $0xE;
	[tilespmem:$0x1FFA0] =	vst v19;
	v19 =	vimm.s32 $0x0  }
0xda: {  	v6 =	vadd.f32 v37, v6;
	v5 =	vadd.f32 v39, v5;
	v19 =	vsel vm0, $0xFFFFFFFF, v19  }
0xdb: {  	v3 =	vadd.f32 v41, v3;
	vm0 =	veq.s32 v18, $0x6;
	[tilespmem:$0x1FFB0] =	vst v19;
	v19 =	vimm.s32 $0x0  }
0xdc: {  	v4 =	vadd.f32 v43, v4;
	vm14 =	veq.s32 v18, $0xE;
	v19 =	vsel vm0, $0xFFFFFFFF, v19  }
0xdd: {  	vm13 =	veq.s32 v18, $0xF;
	vm0 =	veq.s32 v17, $0xC;
	[tilespmem:$0x1FFC0] =	vst v19;
	v19 =	vimm.s32 $0x0  }
0xde: {  	p0 =	sne.s32 s21, $0xF80;
	vm4 =	veq.s32 v18, $0x4;
	vm2 =	veq.s32 v18, $0x5;
	v19 =	vsel vm0, $0xFFFFFFFF, v19  }
.Ltmp0:
0xdf: {  	vm6 =	veq.s32 v18, $0x3;
	vm0 =	veq.s32 v17, $0xD;
	[tilespmem:$0x1FFD0] =	vst v19;
	v19 =	vimm.s32 $0x0;
	(pc) =	sbr.rel @p0 .LBB2_2-.Ltmp0, $4  }
0xe0: {  	vm15 =	veq.s32 v17, $0x9;
	vm1 =	veq.s32 v17, $0x8;
	v19 =	vsel vm0, $0xFFFFFFFF, v19  }
0xe1: {  	vm5 =	veq.s32 v17, $0x6;
	vm0 =	veq.s32 v17, $0xA;
	[tilespmem:$0x1FFE0] =	vst v19;
	v19 =	vimm.s32 $0x0  }
0xe2: {  	vm3 =	veq.s32 v17, $0x7;
	vm7 =	veq.s32 v17, $0x3;
	v19 =	vsel vm0, $0xFFFFFFFF, v19  }
0xe3: {  	s21 =	sadd.s32 $0x80, s21;
	vm9 =	veq.s32 v17, $0x4;
	vm8 =	veq.s32 v17, $0x5;
	vm0 =	veq.s32 v17, $0xB;
	[tilespmem:$0x1FFF0] =	vst v19  }
0xe4: {  	v19 =	vpop (erf);
	vm10 =	veq.s32 v18, $0x0  }
0xe5: {  	vm11 =	veq.s32 v17, $0x2;
	vm12 =	veq.s32 v17, $0x0;
	v29 =	vld [tilespmem:$0x1FFC0];
	v20 =	vnsel vm10, $0x0, v19  }
0xe6: {  	v30 =	vld [tilespmem:$0x1FF90];
	v21 =	vsub.f32 $1.000000000e+00, v19;
	vm10 =	veq.s32 v18, $0x2;
	v50 =	vnsel vm6, $0x0, v19  }
0xe7: {  	v31 =	vld [tilespmem:$0x1FFA0];
	v27 =	vnsel vm4, $0x0, v19;
	v28 =	vnsel vm2, $0x0, v19;
	v37 =	vnsel vm14, $0x0, v19  }
0xe8: {  	v32 =	vld [tilespmem:$0x1FF60];
	v24 =	vnsel vm10, $0x0, v19;
	vm10 =	veq.s32 v17, $0x1;
	v22 =	vnsel vm12, $0x0, v21  }
0xe9: {  	v57 =	vld [tilespmem:$0x1FFF0];
	v23 =	vnsel vm11, $0x0, v21;
	vm12 =	veq.s32 v18, $0x1;
	v25 =	vnsel vm10, $0x0, v21  }
0xea: {  	v33 =	vld [tilespmem:$0x1FF70];
	v26 =	vnsel vm7, $0x0, v21;
	v51 =	vnsel vm9, $0x0, v21;
	v52 =	vnsel vm8, $0x0, v21  }
0xeb: {  	v34 =	vld [tilespmem:$0x1FF30];
	v53 =	vnsel vm5, $0x0, v21;
	v54 =	vnsel vm3, $0x0, v21;
	v55 =	vnsel vm1, $0x0, v21  }
0xec: {  	v59 =	vld [tilespmem:$0x1FFD0];
	v56 =	vnsel vm15, $0x0, v21;
	v20 =	vadd.f32 v22, v20;
	v23 =	vadd.f32 v23, v24  }
0xed: {  	v35 =	vld [tilespmem:$0x1FF40];
	v49 =	vnsel vm12, $0x0, v19;
	v24 =	vadd.f32 v26, v50;
	v26 =	vadd.f32 v52, v28  }
0xee: {  	v58 =	vnsel vm0, $0x0, v21;
	v22 =	vadd.f32 v25, v49;
	v25 =	vadd.f32 v51, v27;
	[tilespmem:s16+$0x2000] =	vst v20  }
0xef: {  	vm10 =	vnez.u8 v29;
	vm11 =	vnez.u8 v30;
	vm12 =	vnez.u8 v31;
	[tilespmem:s16+$0x2100] =	vst v23  }
0xf0: {  	v60 =	vld [tilespmem:$0x1FFE0];
	vm4 =	vnez.u8 v32;
	vm5 =	vnez.u8 v57;
	vm6 =	vnez.u8 v33;
	[tilespmem:s16+$0x2080] =	vst v22  }
0xf1: {  	v36 =	vld [tilespmem:$0x1FF50];
	vm7 =	vnez.u8 v34;
	vm8 =	vnez.u8 v59;
	v29 =	vnsel vm10, $0x0, v19;
	[tilespmem:s17+$0x2000] =	vst v24  }
0xf2: {  	v61 =	vld [tilespmem:$0x1FFB0];
	vm9 =	vnez.u8 v35;
	v30 =	vnsel vm11, $0x0, v19;
	v27 =	vadd.f32 v53, v29;
	[tilespmem:s16+$0x2200] =	vst v25  }
0xf3: {  	v31 =	vnsel vm12, $0x0, v19;
	v32 =	vnsel vm4, $0x0, v19;
	v28 =	vadd.f32 v54, v30;
	[tilespmem:s16+$0x2280] =	vst v26  }
0xf4: {  	v62 =	vld [tilespmem:$0x1FF80];
	v33 =	vnsel vm6, $0x0, v19;
	v34 =	vnsel vm7, $0x0, v19;
	v29 =	vadd.f32 v55, v31;
	[tilespmem:s16+$0x2300] =	vst v27  }
0xf5: {  	v35 =	vnsel vm9, $0x0, v19;
	v31 =	vnsel vm5, $0x0, v21;
	v30 =	vadd.f32 v56, v32;
	[tilespmem:s18+$0x2000] =	vst v28  }
0xf6: {  	vm10 =	vnez.u8 v60;
	vm11 =	vnez.u8 v36;
	v31 =	vadd.f32 v31, v33;
	[tilespmem:s16+$0x3000] =	vst v29  }
0xf7: {  	vm12 =	vnez.u8 v61;
	v32 =	vadd.f32 v58, v34;
	v33 =	vnsel vm8, $0x0, v21;
	[tilespmem:s16+$0x3080] =	vst v30  }
0xf8: {  	v34 =	vnsel vm10, $0x0, v21;
	v36 =	vnsel vm11, $0x0, v19;
	v33 =	vadd.f32 v33, v35;
	[tilespmem:s16+$0x3100] =	vst v31  }
0xf9: {  	vm15 =	vnez.u8 v62;
	v34 =	vadd.f32 v34, v36;
	v35 =	vnsel vm12, $0x0, v21;
	[tilespmem:s20+$0x2000] =	vst v32  }
0xfa: {  	v19 =	vnsel vm13, $0x0, v19;
	v21 =	vnsel vm15, $0x0, v21;
	v35 =	vadd.f32 v35, v37;
	[tilespmem:s16+$0x3200] =	vst v33  }
0xfb: {  	v19 =	vadd.f32 v21, v19;
	[tilespmem:s16+$0x3280] =	vst v34  }
0xfc: {  	[tilespmem:s16+$0x3300] =	vst v35  }
0xfd: {  	s15 =	sor.u32 s15, s19;
	[tilespmem:s23+$0x2000] =	vst v19  }
0xfe: {  	v14 =	vadd.f32 v20, v14;
	[tilespmem:s15+$0x4000] =	vst v18  }
0xff: {  	v15 =	vadd.f32 v22, v15;
	[tilespmem:s15+$0x4080] =	vst v17  }
0x100: {  	v16 =	vadd.f32 v23, v16;
	[tilespmem:$0x4400] =	vst v14  }
0x101: {  	v13 =	vadd.f32 v24, v13;
	[tilespmem:$0x4480] =	vst v15  }
0x102: {  	v1 =	vadd.f32 v25, v1;
	[tilespmem:$0x4500] =	vst v16  }
0x103: {  	v11 =	vadd.f32 v26, v11;
	[tilespmem:$0x4580] =	vst v13  }
0x104: {  	v12 =	vadd.f32 v27, v12;
	[tilespmem:$0x4600] =	vst v1  }
0x105: {  	v63 =	vadd.f32 v29, v10;
	[tilespmem:$0x4680] =	vst v11  }
0x106: {  	v7 =	vadd.f32 v30, v7;
	[tilespmem:$0x4700] =	vst v12  }
0x107: {  	v6 =	vadd.f32 v32, v6;
	[tilespmem:$0x4800] =	vst v63  }
0x108: {  	v1 =	vadd.f32 v28, v9;
	[tilespmem:$0x4880] =	vst v7  }
0x109: {  	v5 =	vadd.f32 v33, v5;
	[tilespmem:$0x4980] =	vst v6  }
0x10a: {  	[tilespmem:$0x4780] =	vst v1;
	v1 =	vadd.f32 v31, v8  }
0x10b: {  	v2 =	vadd.f32 v19, v2;
	[tilespmem:$0x4A00] =	vst v5  }
0x10c: {  	[tilespmem:$0x4900] =	vst v1;
	v1 =	vadd.f32 v34, v3  }
0x10d: {  	[tilespmem:$0x4B80] =	vst v2;
	v3 =	vadd.f32 v35, v4  }
0x10e: {  	[tilespmem:$0x4A80] =	vst v1  }
0x10f: {  	[tilespmem:$0x4B00] =	vst v3  }
0x110: {  	[hbm4b:s4+s8] =	stream.strided.scatter [tilespmem:s11], [sflag:$0x1], $0x2000, s9, s8, $0x38;
	[tilespmem:$0x4C00] =	vst v63  }
0x111: {  	_ =	swait.ge [sflag:s10], $0x2000  }
0x112: {  	[sflag:s10] =	ssyncset.done $0x0  }
0x113: {  	[sflag:s10] =	ssyncadd.s32 $0xFFFFE000  }
0x114: {  	[hbm4b:s5+s2] =	stream.linear.scatter [tilespmem:s12], [sflag:$0x1], $0x400, $0x38;
	[tilespmem:$0x4C00] =	vst v63  }
0x115: {  	s14 =	sadd.s32 $0x1, s14;
	_ =	swait.ge [sflag:s10], $0x400  }
0x116: {  	p0 =	sne.s32 s14, s7;
	[sflag:s10] =	ssyncset.done $0x0  }
.Ltmp1:
0x117: {  	[sflag:s10] =	ssyncadd.s32 $0xFFFFFC00;
	(pc) =	sbr.rel @p0 .LBB2_1-.Ltmp1, $4  }
0x118: {  	[hbm4b:s6+s2] =	stream.linear.scatter [tilespmem:s13], [sflag:$0x1], $0x800, $0x38;
	[tilespmem:$0x4C00] =	vst v63  }
0x119: {  	_ =	swait.ge [sflag:s10], $0x800  }
0x11a: {  	[sflag:s10] =	ssyncset.done $0x0  }
0x11b: {  	[sflag:s10] =	ssyncadd.s32 $0xFFFFF800  }
0x11c: {  	_ =	sfence.sel $0x180000  }
0x11d: {  	[bflag:$0x0] =	sbarrier.arrive $0xFFFF  }
0x11e: {  	p0 =	sne.s32 s1, $0x0;
	_ =	strace $0x90000047  }
0x11f: {  	s0 =	sadd.s32 @!p0 $0x100000, s0;
	[bflag:$0x2] =	sbarrier.arrive $0xFFFF  }
0x120: {  	[sflag:s0] =	ssyncadd.tile.s32 @!p0 $0x1;
	_ =	shalt  }
.Lfunc_end2:
_tile_overlayer_lowered:
.L_overlay_start_2:
0x121: {  	(tag) =	ssettag $0x2  }
0x122: {  	s0 =	rddreg [dreg:$0x0];
	s2 =	stileid.u32  }
0x123: {  	s1 =	rddreg [dreg:$0x1];
	p0 =	sne.s32 s2, $0x0  }
0x124: {  	s3 =	rddreg [dreg:$0x2];
	[bflag:$0x3] =	sbarrier.arrive $0xFFFF;
	s2 =	simm.s32 @!p0 $0x1C01  }
0x125: {  	[timem:s3], [sflag:s2] =	dma.local @!p0 [hbm:s0], s1  }
0x126: {  	s0 =	simm.s32 @!p0 $0x1  }
0x127: {  	_ =	swait.ge @!p0 [sflag:s0], s1  }
0x128: {  	s1 =	ssub.s32 @!p0 $0x0, s1;
	[sflag:s0] =	ssyncset.done @!p0 $0x0  }
0x129: {  	[sflag:s0] =	ssyncadd.s32 @!p0 s1  }
0x12a: {  	[bflag:$0x3] =	sbarrier.arrive $0xFFFF  }
0x12b: {  	_ =	shalt  }

</sc_bundles>
